<compile_context>
chip_gen: v7x
topology: tpu7x:2x2x1
jax: 0.10.2.dev20260603
libtpu: 0.0.44.dev20260713+nightly
codegen_flags: <defaults>
</compile_context>

<pallas_src>
import jax
import jax.numpy as jnp
from jax.experimental import pallas as pl
from jax.experimental.pallas import tpu as pltpu

_B = 16384
_F = 2
_D = 18
_BLK = 2048
_NB = _B // _BLK


def _bdot(a, b):
    return jax.lax.dot_general(
        a.astype(jnp.bfloat16), b.astype(jnp.bfloat16),
        (((1,), (0,)), ((), ())),
        preferred_element_type=jnp.float32)


def _tc_body(x_ref, e0_ref, e1_ref, f0_ref, f1_ref, w1a_ref, w1b_ref,
             w1c_ref, b1_ref, w2_ref, b2_ref, w3_ref, b3_ref, w4t_ref,
             linw_ref, c_ref, out_ref):
    xb = x_ref[...]
    genre = xb[:, _F:]
    e0 = e0_ref[...]
    e1 = e1_ref[...]
    s = e0 + e1 + genre
    pair = s * s - (e0 * e0 + e1 * e1 + genre * genre)
    fm = 0.5 * jnp.sum(pair, axis=1)
    fm = fm + f0_ref[...][:, 0] + f1_ref[...][:, 0]
    fm = fm + jnp.sum(genre * linw_ref[...], axis=1)
    h = _bdot(e0, w1a_ref[...])
    h = h + _bdot(e1, w1b_ref[...])
    h = h + _bdot(genre, w1c_ref[...])
    h = jnp.maximum(h + b1_ref[...], 0.0)
    h = jnp.maximum(_bdot(h, w2_ref[...]) + b2_ref[...], 0.0)
    h = jnp.maximum(_bdot(h, w3_ref[...]) + b3_ref[...], 0.0)
    mlp = jnp.sum(h * w4t_ref[...], axis=1)
    z = fm + mlp + c_ref[0, 0]
    out_ref[...] = jax.nn.sigmoid(z)


def kernel(x, bias, fc_table, lin_W, lin_b, emb, W1, b1, W2, b2, W3, b3,
           W4, b4):
    idx0 = x[:, 0].astype(jnp.int32)
    idx1 = x[:, 1].astype(jnp.int32)
    e0 = jnp.take(emb, idx0, axis=0)
    e1 = jnp.take(emb, idx1, axis=0)
    f0 = jnp.take(fc_table, idx0, axis=0)
    f1 = jnp.take(fc_table, idx1, axis=0)
    c = (bias + lin_b + b4).reshape(1, 1)

    grid_spec = pl.GridSpec(
        grid=(_NB,),
        in_specs=[
            pl.BlockSpec((_BLK, _F + _D), lambda i: (i, 0)),
            pl.BlockSpec((_BLK, _D), lambda i: (i, 0)),
            pl.BlockSpec((_BLK, _D), lambda i: (i, 0)),
            pl.BlockSpec((_BLK, 1), lambda i: (i, 0)),
            pl.BlockSpec((_BLK, 1), lambda i: (i, 0)),
            pl.BlockSpec((_D, 512), lambda i: (0, 0)),
            pl.BlockSpec((_D, 512), lambda i: (0, 0)),
            pl.BlockSpec((_D, 512), lambda i: (0, 0)),
            pl.BlockSpec((1, 512), lambda i: (0, 0)),
            pl.BlockSpec((512, 256), lambda i: (0, 0)),
            pl.BlockSpec((1, 256), lambda i: (0, 0)),
            pl.BlockSpec((256, 128), lambda i: (0, 0)),
            pl.BlockSpec((1, 128), lambda i: (0, 0)),
            pl.BlockSpec((1, 128), lambda i: (0, 0)),
            pl.BlockSpec((1, _D), lambda i: (0, 0)),
            pl.BlockSpec(memory_space=pltpu.SMEM),
        ],
        out_specs=pl.BlockSpec((_BLK,), lambda i: (i,)),
    )
    y = pl.pallas_call(
        _tc_body,
        grid_spec=grid_spec,
        out_shape=jax.ShapeDtypeStruct((_B,), jnp.float32),
    )(x, e0, e1, f0, f1, W1[:_D], W1[_D:2 * _D], W1[2 * _D:], b1[None, :],
      W2, b2[None, :], W3, b3[None, :], W4.T, lin_W, c)
    return y

# --- scband reference (transcript-rebuilt; emitter-appended) ---
"""Pipeline reference for scband-deep-fm-81200651698729 (READ-ONLY COPY).

The authoritative reference and input builder live on the scoring server;
editing this copy changes nothing except your own understanding.
"""

import jax, jax.numpy as jnp
import numpy as np

B = 16384
F = 2
VOCAB = 1000000
D = 18
MLP = [512, 256, 128]


def setup_inputs(seed: int = 0) -> dict:
    key = jax.random.key(seed)
    ks = jax.random.split(key, 16)
    # x = [index fields (as float), 18-dim genre multi-hot]
    idx = jax.random.randint(ks[0], (B, F), 0, VOCAB).astype(jnp.float32)
    genre = (jax.random.uniform(ks[1], (B, 18)) < 0.2).astype(jnp.float32)
    x = jnp.concatenate([idx, genre], axis=1)  # [B, F+18]
    emb = jax.random.normal(ks[2], (VOCAB, D), dtype=jnp.float32) * 0.01
    fc_table = jax.random.normal(ks[3], (VOCAB, 1), dtype=jnp.float32) * 0.01
    bias = jnp.zeros((1,), dtype=jnp.float32)
    lin_W = jax.random.normal(ks[4], (1, 18), dtype=jnp.float32) * 0.1
    lin_b = jnp.zeros((1,), dtype=jnp.float32)
    d_in = F * D + 18
    W1 = jax.random.normal(ks[5], (d_in, MLP[0]), dtype=jnp.float32) / np.sqrt(d_in)
    b1 = jnp.zeros((MLP[0],), dtype=jnp.float32)
    W2 = jax.random.normal(ks[6], (MLP[0], MLP[1]), dtype=jnp.float32) / np.sqrt(MLP[0])
    b2 = jnp.zeros((MLP[1],), dtype=jnp.float32)
    W3 = jax.random.normal(ks[7], (MLP[1], MLP[2]), dtype=jnp.float32) / np.sqrt(MLP[1])
    b3 = jnp.zeros((MLP[2],), dtype=jnp.float32)
    W4 = jax.random.normal(ks[8], (MLP[2], 1), dtype=jnp.float32) / np.sqrt(MLP[2])
    b4 = jnp.zeros((1,), dtype=jnp.float32)
    return {"x": x, "bias": bias, "fc_table": fc_table, "lin_W": lin_W, "lin_b": lin_b,
            "emb": emb, "W1": W1, "b1": b1, "W2": W2, "b2": b2, "W3": W3, "b3": b3,
            "W4": W4, "b4": b4}


def reference(x, bias, fc_table, lin_W, lin_b, emb, W1, b1, W2, b2, W3, b3, W4, b4):
    B_ = x.shape[0]
    idx = x[:, :-18].astype(jnp.int32)   # [B, F] sparse feature ids
    genre = x[:, -18:]                   # [B, 18] dense genre multi-hot
    # ---- FM part ----
    embed_x = jnp.take(emb, idx, axis=0)                     # [B, F, 18]
    embed_all = jnp.concatenate([embed_x, genre[:, None, :]], axis=1)  # [B, F+1, 18]
    fm_y = bias + jnp.sum(jnp.take(fc_table, idx, axis=0), axis=1) + genre @ lin_W.T + lin_b  # [B, 1]
    square_of_sum = jnp.sum(embed_all, axis=1) ** 2          # [B, 18]
    sum_of_square = jnp.sum(embed_all ** 2, axis=1)          # [B, 18]
    fm_y = fm_y + 0.5 * jnp.sum(square_of_sum - sum_of_square, axis=1, keepdims=True)
    # ---- Deep (MLP) part ---- (dropout is identity at inference)
    inputs = jnp.concatenate([embed_x.reshape(B_, -1), genre], axis=1)  # [B, F*18+18]
    h = jax.nn.relu(inputs @ W1 + b1)
    h = jax.nn.relu(h @ W2 + b2)
    h = jax.nn.relu(h @ W3 + b3)
    mlp_y = h @ W4 + b4                                      # [B, 1]
    y = jax.nn.sigmoid(fm_y[:, 0] + mlp_y[:, 0])             # [B]
    return y

if __name__ == "__main__":
    import jax
    _d = setup_inputs()
    print(jax.jit(kernel)(*tuple(_d.values())))

</pallas_src>

<mosaic_0001>
module attributes {stable_mosaic.version = 14 : i64} {
  func.func @_tc_body(%arg0: i32, %arg1: memref<2048x20xf32, #tpu.memory_space<vmem>>, %arg2: memref<2048x18xf32, #tpu.memory_space<vmem>>, %arg3: memref<2048x18xf32, #tpu.memory_space<vmem>>, %arg4: memref<2048x1xf32, #tpu.memory_space<vmem>>, %arg5: memref<2048x1xf32, #tpu.memory_space<vmem>>, %arg6: memref<18x512xf32, #tpu.memory_space<vmem>>, %arg7: memref<18x512xf32, #tpu.memory_space<vmem>>, %arg8: memref<18x512xf32, #tpu.memory_space<vmem>>, %arg9: memref<1x512xf32, #tpu.memory_space<vmem>>, %arg10: memref<512x256xf32, #tpu.memory_space<vmem>>, %arg11: memref<1x256xf32, #tpu.memory_space<vmem>>, %arg12: memref<256x128xf32, #tpu.memory_space<vmem>>, %arg13: memref<1x128xf32, #tpu.memory_space<vmem>>, %arg14: memref<1x128xf32, #tpu.memory_space<vmem>>, %arg15: memref<1x18xf32, #tpu.memory_space<vmem>>, %arg16: memref<1x1xf32, #tpu.memory_space<smem>>, %arg17: memref<2048xf32, #tpu.memory_space<vmem>>) attributes {dimension_semantics = [#tpu.dimension_semantics<arbitrary>], iteration_bounds = array<i64: 8>, scalar_prefetch = 0 : i64, scratch_operands = 0 : i64, tpu.core_type = #tpu.core_type<tc>, window_params = [{transform_indices = @transform_0, window_bounds = array<i64: 2048, 20>}, {transform_indices = @transform_1, window_bounds = array<i64: 2048, 18>}, {transform_indices = @transform_2, window_bounds = array<i64: 2048, 18>}, {transform_indices = @transform_3, window_bounds = array<i64: 2048, 1>}, {transform_indices = @transform_4, window_bounds = array<i64: 2048, 1>}, {pipeline_mode = #tpu.pipeline_mode<synchronous>, transform_indices = @transform_5, window_bounds = array<i64: 18, 512>}, {pipeline_mode = #tpu.pipeline_mode<synchronous>, transform_indices = @transform_6, window_bounds = array<i64: 18, 512>}, {pipeline_mode = #tpu.pipeline_mode<synchronous>, transform_indices = @transform_7, window_bounds = array<i64: 18, 512>}, {pipeline_mode = #tpu.pipeline_mode<synchronous>, transform_indices = @transform_8, window_bounds = array<i64: 1, 512>}, {pipeline_mode = #tpu.pipeline_mode<synchronous>, transform_indices = @transform_9, window_bounds = array<i64: 512, 256>}, {pipeline_mode = #tpu.pipeline_mode<synchronous>, transform_indices = @transform_10, window_bounds = array<i64: 1, 256>}, {pipeline_mode = #tpu.pipeline_mode<synchronous>, transform_indices = @transform_11, window_bounds = array<i64: 256, 128>}, {pipeline_mode = #tpu.pipeline_mode<synchronous>, transform_indices = @transform_12, window_bounds = array<i64: 1, 128>}, {pipeline_mode = #tpu.pipeline_mode<synchronous>, transform_indices = @transform_13, window_bounds = array<i64: 1, 128>}, {pipeline_mode = #tpu.pipeline_mode<synchronous>, transform_indices = @transform_14, window_bounds = array<i64: 1, 18>}, {transform_indices = @transform_15, window_bounds = array<i64: 1, 1>}, {transform_indices = @transform_16, window_bounds = array<i64: 2048>}]} {
    %get3A = arith.constant 0 : index
    %get3A_0 = arith.constant 0 : index
    %get3A_1 = vector.load %arg1[%get3A, %get3A_0] : memref<2048x20xf32, #tpu.memory_space<vmem>>, vector<2048x20xf32>
    %slice3A = vector.extract_strided_slice %get3A_1 {offsets = [0, 2], sizes = [2048, 18], strides = [1, 1]} : vector<2048x20xf32> to vector<2048x18xf32>
    %get3A_2 = arith.constant 0 : index
    %get3A_3 = arith.constant 0 : index
    %get3A_4 = vector.load %arg2[%get3A_2, %get3A_3] : memref<2048x18xf32, #tpu.memory_space<vmem>>, vector<2048x18xf32>
    %get3A_5 = arith.constant 0 : index
    %get3A_6 = arith.constant 0 : index
    %get3A_7 = vector.load %arg3[%get3A_5, %get3A_6] : memref<2048x18xf32, #tpu.memory_space<vmem>>, vector<2048x18xf32>
    %add3A = arith.addf %get3A_4, %get3A_7 : vector<2048x18xf32>
    %add3A_8 = arith.addf %add3A, %slice3A : vector<2048x18xf32>
    %mul3A = arith.mulf %add3A_8, %add3A_8 : vector<2048x18xf32>
    %mul3A_9 = arith.mulf %get3A_4, %get3A_4 : vector<2048x18xf32>
    %mul3A_10 = arith.mulf %get3A_7, %get3A_7 : vector<2048x18xf32>
    %add3A_11 = arith.addf %mul3A_9, %mul3A_10 : vector<2048x18xf32>
    %mul3A_12 = arith.mulf %slice3A, %slice3A : vector<2048x18xf32>
    %add3A_13 = arith.addf %add3A_11, %mul3A_12 : vector<2048x18xf32>
    %sub3A = arith.subf %mul3A, %add3A_13 : vector<2048x18xf32>
    %reduce_sum3A = arith.constant dense<0.000000e+00> : vector<2048xf32>
    %reduce_sum3A_14 = vector.multi_reduction <add>, %sub3A, %reduce_sum3A [1] : vector<2048x18xf32> to vector<2048xf32>
    %mul3A_15 = arith.constant 5.000000e-01 : f32
    %mul3A_16 = vector.broadcast %mul3A_15 : f32 to vector<2048xf32>
    %mul3A_17 = arith.mulf %mul3A_16, %reduce_sum3A_14 : vector<2048xf32>
    %get3A_18 = arith.constant 0 : index
    %get3A_19 = arith.constant 0 : index
    %get3A_20 = vector.load %arg4[%get3A_18, %get3A_19] : memref<2048x1xf32, #tpu.memory_space<vmem>>, vector<2048x1xf32>
    %squeeze3A = vector.shape_cast %get3A_20 : vector<2048x1xf32> to vector<2048xf32>
    %add3A_21 = arith.addf %mul3A_17, %squeeze3A : vector<2048xf32>
    %get3A_22 = arith.constant 0 : index
    %get3A_23 = arith.constant 0 : index
    %get3A_24 = vector.load %arg5[%get3A_22, %get3A_23] : memref<2048x1xf32, #tpu.memory_space<vmem>>, vector<2048x1xf32>
    %squeeze3A_25 = vector.shape_cast %get3A_24 : vector<2048x1xf32> to vector<2048xf32>
    %add3A_26 = arith.addf %add3A_21, %squeeze3A_25 : vector<2048xf32>
    %get3A_27 = arith.constant 0 : index
    %get3A_28 = arith.constant 0 : index
    %get3A_29 = vector.load %arg15[%get3A_27, %get3A_28] : memref<1x18xf32, #tpu.memory_space<vmem>>, vector<1x18xf32>
    %mul3A_30 = vector.broadcast %get3A_29 : vector<1x18xf32> to vector<2048x18xf32>
    %mul3A_31 = arith.mulf %slice3A, %mul3A_30 : vector<2048x18xf32>
    %reduce_sum3A_32 = arith.constant dense<0.000000e+00> : vector<2048xf32>
    %reduce_sum3A_33 = vector.multi_reduction <add>, %mul3A_31, %reduce_sum3A_32 [1] : vector<2048x18xf32> to vector<2048xf32>
    %add3A_34 = arith.addf %add3A_26, %reduce_sum3A_33 : vector<2048xf32>
    %get3A_35 = arith.constant 0 : index
    %get3A_36 = arith.constant 0 : index
    %get3A_37 = vector.load %arg6[%get3A_35, %get3A_36] : memref<18x512xf32, #tpu.memory_space<vmem>>, vector<18x512xf32>
    %convert_element_type3A = arith.truncf %get3A_4 : vector<2048x18xf32> to vector<2048x18xbf16>
    %convert_element_type3A_38 = arith.truncf %get3A_37 : vector<18x512xf32> to vector<18x512xbf16>
    %dot_general3A = arith.constant dense<0.000000e+00> : vector<2048x512xf32>
    %dot_general3A_39 = tpu.matmul %convert_element_type3A, %convert_element_type3A_38, %dot_general3A {dimension_numbers = #tpu.dot_dimension_numbers<[1], [0], [0], [1], [0, 0, 1, 1], [], []>, transpose_lhs_hint = false} : vector<2048x18xbf16>, vector<18x512xbf16>, vector<2048x512xf32> -> vector<2048x512xf32>
    %get3A_40 = arith.constant 0 : index
    %get3A_41 = arith.constant 0 : index
    %get3A_42 = vector.load %arg7[%get3A_40, %get3A_41] : memref<18x512xf32, #tpu.memory_space<vmem>>, vector<18x512xf32>
    %convert_element_type3A_43 = arith.truncf %get3A_7 : vector<2048x18xf32> to vector<2048x18xbf16>
    %convert_element_type3A_44 = arith.truncf %get3A_42 : vector<18x512xf32> to vector<18x512xbf16>
    %dot_general3A_45 = arith.constant dense<0.000000e+00> : vector<2048x512xf32>
    %dot_general3A_46 = tpu.matmul %convert_element_type3A_43, %convert_element_type3A_44, %dot_general3A_45 {dimension_numbers = #tpu.dot_dimension_numbers<[1], [0], [0], [1], [0, 0, 1, 1], [], []>, transpose_lhs_hint = false} : vector<2048x18xbf16>, vector<18x512xbf16>, vector<2048x512xf32> -> vector<2048x512xf32>
    %add3A_47 = arith.addf %dot_general3A_39, %dot_general3A_46 : vector<2048x512xf32>
    %get3A_48 = arith.constant 0 : index
    %get3A_49 = arith.constant 0 : index
    %get3A_50 = vector.load %arg8[%get3A_48, %get3A_49] : memref<18x512xf32, #tpu.memory_space<vmem>>, vector<18x512xf32>
    %convert_element_type3A_51 = arith.truncf %slice3A : vector<2048x18xf32> to vector<2048x18xbf16>
    %convert_element_type3A_52 = arith.truncf %get3A_50 : vector<18x512xf32> to vector<18x512xbf16>
    %dot_general3A_53 = arith.constant dense<0.000000e+00> : vector<2048x512xf32>
    %dot_general3A_54 = tpu.matmul %convert_element_type3A_51, %convert_element_type3A_52, %dot_general3A_53 {dimension_numbers = #tpu.dot_dimension_numbers<[1], [0], [0], [1], [0, 0, 1, 1], [], []>, transpose_lhs_hint = false} : vector<2048x18xbf16>, vector<18x512xbf16>, vector<2048x512xf32> -> vector<2048x512xf32>
    %add3A_55 = arith.addf %add3A_47, %dot_general3A_54 : vector<2048x512xf32>
    %get3A_56 = arith.constant 0 : index
    %get3A_57 = arith.constant 0 : index
    %get3A_58 = vector.load %arg9[%get3A_56, %get3A_57] : memref<1x512xf32, #tpu.memory_space<vmem>>, vector<1x512xf32>
    %add3A_59 = vector.broadcast %get3A_58 : vector<1x512xf32> to vector<2048x512xf32>
    %add3A_60 = arith.addf %add3A_55, %add3A_59 : vector<2048x512xf32>
    %max3A = arith.constant 0.000000e+00 : f32
    %max3A_61 = vector.broadcast %max3A : f32 to vector<2048x512xf32>
    %max3A_62 = arith.maximumf %add3A_60, %max3A_61 : vector<2048x512xf32>
    %get3A_63 = arith.constant 0 : index
    %get3A_64 = arith.constant 0 : index
    %get3A_65 = vector.load %arg10[%get3A_63, %get3A_64] : memref<512x256xf32, #tpu.memory_space<vmem>>, vector<512x256xf32>
    %convert_element_type3A_66 = arith.truncf %max3A_62 : vector<2048x512xf32> to vector<2048x512xbf16>
    %convert_element_type3A_67 = arith.truncf %get3A_65 : vector<512x256xf32> to vector<512x256xbf16>
    %dot_general3A_68 = arith.constant dense<0.000000e+00> : vector<2048x256xf32>
    %dot_general3A_69 = tpu.matmul %convert_element_type3A_66, %convert_element_type3A_67, %dot_general3A_68 {dimension_numbers = #tpu.dot_dimension_numbers<[1], [0], [0], [1], [0, 0, 1, 1], [], []>, transpose_lhs_hint = false} : vector<2048x512xbf16>, vector<512x256xbf16>, vector<2048x256xf32> -> vector<2048x256xf32>
    %get3A_70 = arith.constant 0 : index
    %get3A_71 = arith.constant 0 : index
    %get3A_72 = vector.load %arg11[%get3A_70, %get3A_71] : memref<1x256xf32, #tpu.memory_space<vmem>>, vector<1x256xf32>
    %add3A_73 = vector.broadcast %get3A_72 : vector<1x256xf32> to vector<2048x256xf32>
    %add3A_74 = arith.addf %dot_general3A_69, %add3A_73 : vector<2048x256xf32>
    %max3A_75 = arith.constant 0.000000e+00 : f32
    %max3A_76 = vector.broadcast %max3A_75 : f32 to vector<2048x256xf32>
    %max3A_77 = arith.maximumf %add3A_74, %max3A_76 : vector<2048x256xf32>
    %get3A_78 = arith.constant 0 : index
    %get3A_79 = arith.constant 0 : index
    %get3A_80 = vector.load %arg12[%get3A_78, %get3A_79] : memref<256x128xf32, #tpu.memory_space<vmem>>, vector<256x128xf32>
    %convert_element_type3A_81 = arith.truncf %max3A_77 : vector<2048x256xf32> to vector<2048x256xbf16>
    %convert_element_type3A_82 = arith.truncf %get3A_80 : vector<256x128xf32> to vector<256x128xbf16>
    %dot_general3A_83 = arith.constant dense<0.000000e+00> : vector<2048x128xf32>
    %dot_general3A_84 = tpu.matmul %convert_element_type3A_81, %convert_element_type3A_82, %dot_general3A_83 {dimension_numbers = #tpu.dot_dimension_numbers<[1], [0], [0], [1], [0, 0, 1, 1], [], []>, transpose_lhs_hint = false} : vector<2048x256xbf16>, vector<256x128xbf16>, vector<2048x128xf32> -> vector<2048x128xf32>
    %get3A_85 = arith.constant 0 : index
    %get3A_86 = arith.constant 0 : index
    %get3A_87 = vector.load %arg13[%get3A_85, %get3A_86] : memref<1x128xf32, #tpu.memory_space<vmem>>, vector<1x128xf32>
    %add3A_88 = vector.broadcast %get3A_87 : vector<1x128xf32> to vector<2048x128xf32>
    %add3A_89 = arith.addf %dot_general3A_84, %add3A_88 : vector<2048x128xf32>
    %max3A_90 = arith.constant 0.000000e+00 : f32
    %max3A_91 = vector.broadcast %max3A_90 : f32 to vector<2048x128xf32>
    %max3A_92 = arith.maximumf %add3A_89, %max3A_91 : vector<2048x128xf32>
    %get3A_93 = arith.constant 0 : index
    %get3A_94 = arith.constant 0 : index
    %get3A_95 = vector.load %arg14[%get3A_93, %get3A_94] : memref<1x128xf32, #tpu.memory_space<vmem>>, vector<1x128xf32>
    %mul3A_96 = vector.broadcast %get3A_95 : vector<1x128xf32> to vector<2048x128xf32>
    %mul3A_97 = arith.mulf %max3A_92, %mul3A_96 : vector<2048x128xf32>
    %reduce_sum3A_98 = arith.constant dense<0.000000e+00> : vector<2048xf32>
    %reduce_sum3A_99 = vector.multi_reduction <add>, %mul3A_97, %reduce_sum3A_98 [1] : vector<2048x128xf32> to vector<2048xf32>
    %add3A_100 = arith.addf %add3A_34, %reduce_sum3A_99 : vector<2048xf32>
    %get3A_101 = arith.constant 0 : index
    %get3A_102 = arith.constant 0 : index
    %get3A_103 = memref.load %arg16[%get3A_101, %get3A_102] : memref<1x1xf32, #tpu.memory_space<smem>>
    %add3A_104 = vector.broadcast %get3A_103 : f32 to vector<2048xf32>
    %add3A_105 = arith.addf %add3A_100, %add3A_104 : vector<2048xf32>
    %logistic3A = arith.negf %add3A_105 : vector<2048xf32>
    %logistic3A_106 = math.exp %logistic3A : vector<2048xf32>
    %logistic3A_107 = arith.constant 1.000000e+00 : f32
    %logistic3A_108 = vector.broadcast %logistic3A_107 : f32 to vector<2048xf32>
    %logistic3A_109 = arith.addf %logistic3A_108, %logistic3A_106 : vector<2048xf32>
    %logistic3A_110 = arith.divf %logistic3A_108, %logistic3A_109 : vector<2048xf32>
    %swap3A = arith.constant 0 : index
    %swap3A_111 = vector.load %arg17[%swap3A] : memref<2048xf32, #tpu.memory_space<vmem>>, vector<2048xf32>
    tpu.vector_store %arg17[%swap3A], %logistic3A_110 {strides = array<i32>} : memref<2048xf32, #tpu.memory_space<vmem>>, vector<2048xf32>,
    return
  }
  func.func @transform_0(%arg0: i32) -> (i32, i32) {
    %c0_i32 = arith.constant 0 : i32
    %c0_i32_0 = arith.constant 0 : i32
    return %arg0, %c0_i32 : i32, i32
  }
  func.func @transform_1(%arg0: i32) -> (i32, i32) {
    %c0_i32 = arith.constant 0 : i32
    %c0_i32_0 = arith.constant 0 : i32
    return %arg0, %c0_i32 : i32, i32
  }
  func.func @transform_2(%arg0: i32) -> (i32, i32) {
    %c0_i32 = arith.constant 0 : i32
    %c0_i32_0 = arith.constant 0 : i32
    return %arg0, %c0_i32 : i32, i32
  }
  func.func @transform_3(%arg0: i32) -> (i32, i32) {
    %c0_i32 = arith.constant 0 : i32
    %c0_i32_0 = arith.constant 0 : i32
    return %arg0, %c0_i32 : i32, i32
  }
  func.func @transform_4(%arg0: i32) -> (i32, i32) {
    %c0_i32 = arith.constant 0 : i32
    %c0_i32_0 = arith.constant 0 : i32
    return %arg0, %c0_i32 : i32, i32
  }
  func.func @transform_5(%arg0: i32) -> (i32, i32) {
    %c0_i32 = arith.constant 0 : i32
    %c0_i32_0 = arith.constant 0 : i32
    %c0_i32_1 = arith.constant 0 : i32
    return %c0_i32, %c0_i32_0 : i32, i32
  }
  func.func @transform_6(%arg0: i32) -> (i32, i32) {
    %c0_i32 = arith.constant 0 : i32
    %c0_i32_0 = arith.constant 0 : i32
    %c0_i32_1 = arith.constant 0 : i32
    return %c0_i32, %c0_i32_0 : i32, i32
  }
  func.func @transform_7(%arg0: i32) -> (i32, i32) {
    %c0_i32 = arith.constant 0 : i32
    %c0_i32_0 = arith.constant 0 : i32
    %c0_i32_1 = arith.constant 0 : i32
    return %c0_i32, %c0_i32_0 : i32, i32
  }
  func.func @transform_8(%arg0: i32) -> (i32, i32) {
    %c0_i32 = arith.constant 0 : i32
    %c0_i32_0 = arith.constant 0 : i32
    %c0_i32_1 = arith.constant 0 : i32
    return %c0_i32, %c0_i32_0 : i32, i32
  }
  func.func @transform_9(%arg0: i32) -> (i32, i32) {
    %c0_i32 = arith.constant 0 : i32
    %c0_i32_0 = arith.constant 0 : i32
    %c0_i32_1 = arith.constant 0 : i32
    return %c0_i32, %c0_i32_0 : i32, i32
  }
  func.func @transform_10(%arg0: i32) -> (i32, i32) {
    %c0_i32 = arith.constant 0 : i32
    %c0_i32_0 = arith.constant 0 : i32
    %c0_i32_1 = arith.constant 0 : i32
    return %c0_i32, %c0_i32_0 : i32, i32
  }
  func.func @transform_11(%arg0: i32) -> (i32, i32) {
    %c0_i32 = arith.constant 0 : i32
    %c0_i32_0 = arith.constant 0 : i32
    %c0_i32_1 = arith.constant 0 : i32
    return %c0_i32, %c0_i32_0 : i32, i32
  }
  func.func @transform_12(%arg0: i32) -> (i32, i32) {
    %c0_i32 = arith.constant 0 : i32
    %c0_i32_0 = arith.constant 0 : i32
    %c0_i32_1 = arith.constant 0 : i32
    return %c0_i32, %c0_i32_0 : i32, i32
  }
  func.func @transform_13(%arg0: i32) -> (i32, i32) {
    %c0_i32 = arith.constant 0 : i32
    %c0_i32_0 = arith.constant 0 : i32
    %c0_i32_1 = arith.constant 0 : i32
    return %c0_i32, %c0_i32_0 : i32, i32
  }
  func.func @transform_14(%arg0: i32) -> (i32, i32) {
    %c0_i32 = arith.constant 0 : i32
    %c0_i32_0 = arith.constant 0 : i32
    %c0_i32_1 = arith.constant 0 : i32
    return %c0_i32, %c0_i32_0 : i32, i32
  }
  func.func @transform_15(%arg0: i32) -> (i32, i32) {
    %c0_i32 = arith.constant 0 : i32
    %c0_i32_0 = arith.constant 0 : i32
    %c0_i32_1 = arith.constant 0 : i32
    return %c0_i32, %c0_i32_0 : i32, i32
  }
  func.func @transform_16(%arg0: i32) -> i32 {
    %c0_i32 = arith.constant 0 : i32
    return %arg0 : i32
  }
}

</mosaic_0001>

<sc_bundles>
// kernel: gather_offload_async_start.1
scs
__scs_entry_jumppad:
0x0: {  	(pc) =	sbr.rel $0x88, $3  }
0x1: {  	(tag) =	ssettag $0x0;
	lr =	simm.s32 $0x1  }
0x2: {  	[smem:$0x3F93] =	sst lr;
	_ =	strace $0xD0000000  }
0x3: {  	_ = 	snop  }
0x4: {  	_ = 	snop  }
0x5: {  	_ = 	snop  }
0x6: {  	_ = 	snop  }
0x7: {  	_ = 	snop  }
__scs_overlays_trampoline_lowered:
0x8: {  	[smem:$0x3FA2] =	sst s0  }
0x9: {  	[smem:$0x3FA3] =	sst s1  }
0xa: {  	[smem:$0x3FA4] =	sst s2  }
0xb: {  	[smem:$0x3FA5] =	sst s3  }
0xc: {  	[smem:$0x3FA6] =	sst s4  }
0xd: {  	[smem:$0x3FA7] =	sst s5  }
0xe: {  	[smem:$0x3FA8] =	sst s6  }
0xf: {  	[smem:$0x3FA9] =	sst s7  }
0x10: {  	[smem:$0x3FAA] =	sst s8  }
0x11: {  	[smem:$0x3FAB] =	sst s9;
	s0 =	simm.s32 @!p0 $0x0  }
0x12: {  	s1 =	sld [smem:$0x3F91];
	s0 =	simm.s32 @p0 $0x1  }
0x13: {  	[smem:$0x3FAC] =	sst s0;
	s0 =	simm.s32 @!p1 $0x0  }
0x14: {  	s2 =	sld [smem:$0x3F90];
	s0 =	simm.s32 @p1 $0x1  }
0x15: {  	[smem:$0x3FAD] =	sst s0;
	s0 =	simm.s32 @!p2 $0x0  }
0x16: {  	s3 =	sld [smem:$0x3FDB];
	s0 =	simm.s32 @p2 $0x1  }
0x17: {  	s4 =	simm.s32 $0x1BF5;
	[smem:$0x3FAF] =	sst s0  }
0x18: {  	s0 =	sld [smem:$0x3F92];
	_ =	swait.ge [sflag:s4], $0x0  }
0x19: {  	s7 =	sld [smem:$0x3F93]  }
0x1a: {  	s8 =	sadd.s32 $0xFFFFE003, lr  }
0x1b: {  	s9 =	sadd.s32 $0xFFFFFEF7, lr;
	s5 =	simm.s32 $0xFFFFFFFF;
	p2 =	slt.u32 s8, $0xFFFFF086  }
0x1c: {  	p1 =	slt.u32 s9, $0xF7A;
	s5 =	simm.s32 @!p2 $0x0  }
0x1d: {  	s5 =	simm.s32 @p1 $0x1;
	p0 =	seq.s32 s7, s2  }
0x1e: {  	s7 =	smul.u32 @!p0 $0xF7A, s2;
	p2 =	seq.s32 @!p0 s5, $0x0  }
0x1f: {  	s9 =	smul.u32 $0xF7A, s1;
	s8 =	simm.s32 @!p0 $0x1BF5;
	p2 =	por !p2, p0  }
0x20: {  	[sflag:s8] =	ssyncset.s32 @!p0 $0xFFFFF086;
	s6 =	sadd.s32 @!p0 s3, s7;
	s7 =	simm.s32 @!p0 $0x108  }
0x21: {  	s3 =	sadd.s32 s3, s9;
	s6 =	sadd.s32 @!p0 $0x88, s6;
	s7 =	simm.s32 @p2 $0x1082  }
0x22: {  	[simem:s7], [sflag:s8] =	dma.local @!p0 [hbm:s6], $0xF7A  }
0x23: {  	s9 =	sor.u32 $0xD0000000, s2;
	s6 =	simm.s32 $0x108;
	_ =	swait.ge @!p0 [sflag:s8], $0x0  }
0x24: {  	s3 =	sadd.s32 $0x88, s3;
	s6 =	simm.s32 @!p1 $0x1082;
	[sflag:s4] =	ssyncset.s32 $0xFFFFF086  }
0x25: {  	[simem:s6], [sflag:s4] =	dma.local [hbm:s3], $0xF7A  }
0x26: {  	[smem:$0x3F93] =	sst s1;
	(tag) =	ssettag s2;
	_ =	strace s9  }
0x27: {  	s1 =	sld [smem:$0x3FA3]  }
0x28: {  	s2 =	sld [smem:$0x3FA4]  }
0x29: {  	s4 =	sld [smem:$0x3FA6]  }
0x2a: {  	p0 =	seq.s32 s5, $0x0;
	s5 =	sld [smem:$0x3FA7]  }
0x2b: {  	s6 =	sld [smem:$0x3FA8]  }
0x2c: {  	s7 =	sld [smem:$0x3FA9]  }
0x2d: {  	s3 =	simm.s32 $0x108;
	s8 =	sld [smem:$0x3FAA]  }
0x2e: {  	s3 =	simm.s32 @!p0 $0x1082;
	s9 =	sld [smem:$0x3FAB]  }
0x2f: {  	lr =	sadd.s32 s0, s3;
	s0 =	sld [smem:$0x3FA2]  }
0x30: {  	s3 =	sld [smem:$0x3FA5]  }
0x31: {  	[smem:$0x3FAE] =	sst s10  }
0x32: {  	s10 =	sld [smem:$0x3FAC];
	_ =	sdelay $0x3  }
0x33: {  	p0 =	seq.s32 s10, $0x1;
	s10 =	sld [smem:$0x3FAE];
	_ =	sdelay $0x3  }
0x34: {  	[smem:$0x3FAE] =	sst s10  }
0x35: {  	s10 =	sld [smem:$0x3FAD];
	_ =	sdelay $0x3  }
0x36: {  	p1 =	seq.s32 s10, $0x1;
	s10 =	sld [smem:$0x3FAE];
	_ =	sdelay $0x3  }
0x37: {  	[smem:$0x3FAE] =	sst s10  }
0x38: {  	s10 =	sld [smem:$0x3FAF]  }
0x39: {  	_ = 	snop;
	(pc) =	sbr.ind lr, $3  }
0x3a: {  	_ = 	snop  }
0x3b: {  	_ = 	snop  }
0x3c: {  	p2 =	seq.s32 s10, $0x1;
	s10 =	sld [smem:$0x3FAE]  }
0x3d: {  	_ =	shalt  }
0x3e: {  	_ =	shalt  }
0x3f: {  	_ =	shalt  }
0x40: {  	_ =	shalt  }
0x41: {  	_ =	shalt  }
0x42: {  	_ =	shalt  }
0x43: {  	_ =	shalt  }
0x44: {  	_ =	shalt  }
0x45: {  	_ =	shalt  }
0x46: {  	_ =	shalt  }
0x47: {  	_ =	shalt  }
0x48: {  	_ =	shalt  }
0x49: {  	_ =	shalt  }
0x4a: {  	_ =	shalt  }
0x4b: {  	_ =	shalt  }
0x4c: {  	_ =	shalt  }
0x4d: {  	_ =	shalt  }
0x4e: {  	_ =	shalt  }
0x4f: {  	_ =	shalt  }
0x50: {  	_ =	shalt  }
0x51: {  	_ =	shalt  }
0x52: {  	_ =	shalt  }
0x53: {  	_ =	shalt  }
0x54: {  	_ =	shalt  }
0x55: {  	_ =	shalt  }
0x56: {  	_ =	shalt  }
0x57: {  	_ =	shalt  }
0x58: {  	_ =	shalt  }
0x59: {  	_ =	shalt  }
0x5a: {  	_ =	shalt  }
0x5b: {  	_ =	shalt  }
0x5c: {  	_ =	shalt  }
0x5d: {  	_ =	shalt  }
0x5e: {  	_ =	shalt  }
0x5f: {  	_ =	shalt  }
0x60: {  	_ =	shalt  }
0x61: {  	_ =	shalt  }
0x62: {  	_ =	shalt  }
0x63: {  	_ =	shalt  }
0x64: {  	_ =	shalt  }
0x65: {  	_ =	shalt  }
0x66: {  	_ =	shalt  }
0x67: {  	_ =	shalt  }
0x68: {  	_ =	shalt  }
0x69: {  	_ =	shalt  }
0x6a: {  	_ =	shalt  }
0x6b: {  	_ =	shalt  }
0x6c: {  	_ =	shalt  }
0x6d: {  	_ =	shalt  }
0x6e: {  	_ =	shalt  }
0x6f: {  	_ =	shalt  }
0x70: {  	_ =	shalt  }
0x71: {  	_ =	shalt  }
0x72: {  	_ =	shalt  }
0x73: {  	_ =	shalt  }
0x74: {  	_ =	shalt  }
0x75: {  	_ =	shalt  }
0x76: {  	_ =	shalt  }
0x77: {  	_ =	shalt  }
0x78: {  	_ =	shalt  }
0x79: {  	_ =	shalt  }
0x7a: {  	_ =	shalt  }
0x7b: {  	_ =	shalt  }
0x7c: {  	_ =	shalt  }
0x7d: {  	_ =	shalt  }
0x7e: {  	_ =	shalt  }
0x7f: {  	_ =	shalt  }
0x80: {  	_ =	shalt  }
0x81: {  	_ =	shalt  }
0x82: {  	_ =	shalt  }
0x83: {  	_ =	shalt  }
0x84: {  	_ =	shalt  }
0x85: {  	_ =	shalt  }
0x86: {  	_ =	shalt  }
0x87: {  	_ =	shalt  }
.Lfunc_end0:
.L_simem_size_0:
called_computation.1_lowered:
.L_overlay_start_0:
0x88: {  	s2 =	sld [smem:$0x3FD9]  }
0x89: {  	s3 =	sld [smem:$0x3FFE];
	_ =	sdelay $0x1  }
0x8a: {  	s1 =	srdreg.scid  }
0x8b: {  	s0 =	sand.u32 $0x1, s1  }
0x8c: {  	s17 =	sshll.u32 s0, $0xA;
	s2 =	sadd.s32 s3, s2  }
0x8d: {  	s2 =	sadd.s32 s2, s17  }
0x8e: {  	[smem:$0x3FBA] =	sst s2  }
0x8f: {  	_ = 	snop  }
0x90: {  	s18 =	sld [smem:$0x3FC4]  }
0x91: {  	s4 =	sld [smem:$0x3FD0];
	(tm) =	ssettm $0x1  }
0x92: {  	s19 =	sld [smem:$0x3FFB];
	_ =	sdelay $0x3  }
0x93: {  	_ =	strace s19  }
0x94: {  	s2 =	sld [smem:$0x3FFC];
	_ =	sdelay $0x3  }
0x95: {  	_ =	strace s2  }
0x96: {  	s2 =	sld [smem:$0x3FFD];
	_ =	sdelay $0x3  }
0x97: {  	_ =	strace s2  }
0x98: {  	_ =	strace $0x8FFFFFFF  }
0x99: {  	s20 =	sld [smem:$0x3FDB];
	_ =	sdelay $0x1  }
0x9a: {  	s5 =	simm.s32 $_scs_section_size  }
0x9b: {  	s6 =	simm.s32 $_size__tile_overlayer_lowered;
	s7 =	simm.s32 $_tile_overlayer_lowered  }
0x9c: {  	s8 =	simm.s32 $0x1BFF;
	s21 =	sshll.u32 s7, $0x1;
	s5 =	sadd.s32 s5, s20  }
0x9d: {  	s22 =	simm.s32 $0x0;
	s6 =	sshll.u32 s6, $0x1;
	s7 =	sadd.s32 s21, s5  }
0x9e: {  	[timem:s22], [sflag:s8] =	dma.local [hbm:s7], s6  }
0x9f: {  	_ =	swait.ge [sflag:s8], s6  }
0xa0: {  	s6 =	ssub.s32 $0x0, s6;
	[sflag:s8] =	ssyncset.done $0x0  }
0xa1: {  	[sflag:s8] =	ssyncadd.s32 s6;
	_ =	sdelay $0x1  }
0xa2: {  	s23 =	simm.s32 $0x1B8B  }
0xa3: {  	_ =	swait.ge [sflag:s23], $0x1  }
0xa4: {  	[sflag:s23] =	ssyncset.done $0x0  }
0xa5: {  	[sflag:s23] =	ssyncadd.s32 $0xFFFFFFFF  }
0xa6: {  	s6 =	sld [smem:$0x0]  }
0xa7: {  	s7 =	sand.u32 $0xFFFFFFFE, s1  }
0xa8: {  	p0 =	sne.s32 s1, s7  }
0xa9: {  	s7 =	sshll.u32 @p0 s7, $0xE  }
0xaa: {  	s7 =	sadd.s32 @p0 $0x11B8D, s7;
	s8 =	sshll.u32 @p0 s6, $0x11  }
0xab: {  	s7 =	sor.u32 @p0 s8, s7  }
0xac: {  	[sflag:s7] =	ssyncadd.remote.s32 @p0 $0x1;
	_ =	sdelay $0x1  }
0xad: {  	s7 =	simm.s32 @p0 $0x1B8D  }
0xae: {  	_ =	swait.eq @p0 [sflag:s7], $0x1  }
0xaf: {  	[sflag:s7] =	ssyncadd.s32 @p0 $0xFFFFFFFF  }
0xb0: {  	s8 =	sshll.u32 @!p0 s1, $0xE  }
0xb1: {  	s8 =	sor.u32 @!p0 $0x4000, s8;
	s7 =	simm.s32 @!p0 $0x1B8D  }
0xb2: {  	s6 =	sshll.u32 @!p0 s6, $0x11;
	s8 =	sadd.s32 @!p0 $0x11B8D, s8;
	_ =	swait.eq @!p0 [sflag:s7], $0x1  }
0xb3: {  	s6 =	sor.u32 @!p0 s6, s8;
	[sflag:s7] =	ssyncadd.s32 @!p0 $0xFFFFFFFF  }
0xb4: {  	s25 =	simm.s32 $0x1B8E;
	s24 =	sld [smem:$0x3FFE];
	[sflag:s6] =	ssyncadd.remote.s32 @!p0 $0x1  }
0xb5: {  	s26 =	simm.s32 $execute0_lowered;
	[smem:$0x3FD2] =	sst s25  }
0xb6: {  	s7 =	sshll.u32 s26, $0x1;
	_ =	strace $0x8000004F;
	[dreg:$0x1] =	wrdreg $0xFFFFFFFF  }
0xb7: {  	s28 =	simm.s32 $_size_execute0_lowered;
	s5 =	sadd.s32 s5, s7;
	[dreg:$0x0] =	wrdreg $0x0  }
0xb8: {  	s7 =	sshll.u32 s28, $0x1;
	[dreg:$0x2] =	wrdreg s5  }
0xb9: {  	[dreg:$0x3] =	wrdreg s7  }
0xba: {  	[dreg:$0x4] =	wrdreg $0xC0  }
0xbb: {  	_ =	task [dreg:s22], $0x5FFFF  }
0xbc: {  	[dreg:$0x1] =	wrdreg $0xFFFFFFFF  }
0xbd: {  	[dreg:$0x0] =	wrdreg $0x60  }
0xbe: {  	[dreg:$0x2] =	wrdreg s18  }
0xbf: {  	[dreg:$0x3] =	wrdreg s4  }
0xc0: {  	[dreg:$0x4] =	wrdreg s24  }
0xc1: {  	[dreg:$0x5] =	wrdreg $0xA  }
0xc2: {  	_ =	task.clear_ibuf [dreg:s22], $0x6FFFF;
	_ =	strace $0x9000004F  }
0xc3: {  	s29 =	simm.s32 $0xA;
	_ =	strace $0x80000051  }
0xc4: {  	_ =	swait.ge [sflag:s29], $0x1  }
0xc5: {  	[sflag:s29] =	ssyncadd.s32 $0xFFFFFFFF  }
0xc6: {  	_ =	strace $0x90000051  }
0xc7: {  	_ =	sfence  }
0xc8: {  	s30 =	sld [smem:$0x0];
	_ =	sdelay $0x2  }
0xc9: {  	s31 =	sshll.u32 s1, $0xD;
	s1 =	sshrl.u32 s1, $0x2  }
0xca: {  	s4 =	sand.u32 $0x4000, s31;
	s1 =	sadd.s32 s1, s30  }
0xcb: {  	s0 =	sor.u32 s4, s0;
	s1 =	sshll.u32 s1, $0x11  }
0xcc: {  	s0 =	sor.u32 s1, s0  }
0xcd: {  	s0 =	sadd.s32 $0x8F2B, s0  }
0xce: {  	[sflag:s0] =	ssyncadd.remote.s32 $0x1  }
0xcf: {  	_ =	sfence.sel $0xFFFF  }
0xd0: {  	[dreg:$0x0] =	wrdreg $0xFFFFFFFF;
	(pc) =	sbr.abs _section_cstart, $3  }
0xd1: {  	[dreg:$0x1] =	wrdreg $0xFFFFFFFF  }
0xd2: {  	_ =	task.clear_ibuf [dreg:s22], $0x2FFFF;
	_ =	strace $0x9FFFFFFF  }
0xd3: {  	(tm) =	ssettm $0x7FFFFFFF  }
tec
execute0_lowered:
.L_overlay_start_1:
0x0: {  	(tag) =	ssettag $0x1  }
0x1: {  	s2 =	rddreg [dreg:$0x0]  }
0x2: {  	s8 =	rddreg [dreg:$0x1]  }
0x3: {  	s10 =	rddreg [dreg:$0x2]  }
0x4: {  	s3 =	srdreg.scid;
	s0 =	rddreg [dreg:$0x3]  }
0x5: {  	s1 =	stileid.u32;
	_ =	strace $0x80000050;
	s4 =	simm.s32 $0x1  }
0x6: {  	s9 =	simm.s32 $0x3;
	s12 =	simm.s32 $0x0;
	s3 =	sshll.u32 s3, $0x9  }
0x7: {  	s14 =	simm.s32 $0x0;
	s5 =	sshll.u32 s1, $0xA;
	s6 =	sand.u32 $0x200, s3  }
0x8: {  	s13 =	simm.s32 $0x0;
	[sflag:s4] =	ssyncpa.u1 $0x0;
	s5 =	sor.u32 s5, s6  }
0x9: {  	s3 =	sadd.s32 $0x72400, s10;
	s6 =	simm.s32 $0x2;
	s7 =	ssub.s32 $0x4000, s5  }
.Ltmp0:
0xa: {  	[sflag:s6] =	ssyncpa.u1 $0x0;
	s11 =	sand.u32 $0x3E00, s7;
	(pc) =	sbr.rel .LBB2_1-.Ltmp0, $4  }
0xb: {  	[sflag:s9] =	ssyncpa.u1 $0x0;
	s9 =	simm.s32 $0x1;
	p0 =	sne.s32 s11, $0x0  }
0xc: {  	s31 =	sshrl.u32 s5, $0x3;
	s7 =	sshrl.u32 s7, $0xE;
	s9 =	simm.s32 @!p0 $0x0  }
0xd: {  	s8 =	sadd.s32 s8, s31;
	p0 =	por $0x0, $0x0;
	s7 =	sadd.s32 s9, s7  }
0xe: {  	vm0 =	vmmov $0xffff;
	s9 =	sadd.s32 $0x76400, s10;
	s10 =	sadd.s32 $0x7A400, s10;
	s11 =	sadd.s32 $0x1, s7  }
.LBB2_4:
0xf: {  	_ =	sdelay $0x3  }
0x10: {  	[tilespmem:s20], [sflag:$0x1] =	stream.indirect_vreg.gather [hbm4b:s2+s12], $0x1, v0, vm0, $0x4038;
	[tilespmem:$0x6400] =	vst v63  }
0x11: {  	s17 =	sshll.u32 s14, $0x3  }
0x12: {  	s26 =	sand.u32 $0x78, s14;
	s17 =	sand.u32 $0x7FFFFC00, s17  }
0x13: {  	_ =	swait.ge [sflag:s4], $0x3000;
	s14 =	sor.u32 s26, s17  }
0x14: {  	[sflag:s4] =	ssyncset.done $0x0;
	s14 =	sshrl.u32 s14, $0x3  }
0x15: {  	[sflag:s4] =	ssyncadd.s32 $0xFFFFD000;
	s28 =	sadd.s32 s3, s14  }
0x16: {  	[hbm:s28] =	stream.linear.scatter [tilespmem:s16], [sflag:$0x3], $0x1000, $0x38;
	[tilespmem:$0x6400] =	vst v63  }
0x17: {  	s29 =	sadd.s32 $0x1400, s15;
	s30 =	sadd.s32 s14, s9  }
0x18: {  	[hbm:s30] =	stream.linear.scatter [tilespmem:s29], [sflag:$0x3], $0x1000, $0x38;
	[tilespmem:$0x6400] =	vst v63  }
0x19: {  	s31 =	sadd.s32 $0x2400, s15;
	s14 =	sadd.s32 s14, s10  }
0x1a: {  	[hbm:s14] =	stream.linear.scatter [tilespmem:s31], [sflag:$0x3], $0x1000, $0x38;
	[tilespmem:$0x6400] =	vst v63  }
.LBB2_5:
0x1b: {  	p2 =	sne.s32 s13, s11  }
.Ltmp1:
0x1c: {  	p1 =	slt.u32 s13, $0x2;
	(pc) =	sbr.rel @!p2 .LBB2_6-.Ltmp1, $4  }
0x1d: {  	s14 =	simm.s32 @!p1 $0x3  }
0x1e: {  	_ =	swait.ge @!p1 [sflag:s14], $0x3000  }
0x1f: {  	s15 =	sadd.s32 $0x1, s13;
	p0 =	por !p0, !p0;
	[sflag:s14] =	ssyncset.done @!p1 $0x0  }
0x20: {  	s13 =	smov.u32 s15;
	[sflag:s14] =	ssyncadd.s32 @!p1 $0xFFFFD000;
	s14 =	smov.u32 s5  }
.LBB2_1:
0x21: {  	p1 =	sge.u32 s13, s7  }
0x22: {  	s15 =	sxor.u32 @!p1 $0xFFFFFFFF, s13  }
0x23: {  	s15 =	sshll.u32 @!p1 s15, $0x9  }
0x24: {  	s31 =	sadd.s32 $0xFFFFFFFF, s13;
	s16 =	simm.s32 @!p1 $0x0;
	s15 =	sand.u32 @!p1 $0x200, s15  }
0x25: {  	[tilespmem:s15], [sflag:$0x2] =	stream.linear.gather @!p1 [hbm4b:s8+s16], $0x200, $0x38;
	[tilespmem:$0x6400] =	vst v63  }
0x26: {  	p1 =	sge.u32 s31, s7  }
.Ltmp2:
0x27: {  	_ = 	snop;
	(pc) =	sbr.rel @p1 .LBB2_5-.Ltmp2, $1  }
0x28: {  	_ =	sdelay $0x3  }
0x29: {  	s15 =	simm.s32 $0x1;
	_ =	swait.ge [sflag:s6], $0x200  }
0x2a: {  	s15 =	simm.s32 @!p0 $0x0;
	[sflag:s6] =	ssyncset.done $0x0  }
0x2b: {  	s18 =	sshll.u32 s15, $0x9;
	[sflag:s6] =	ssyncadd.s32 $0xFFFFFE00  }
0x2c: {  	v0 =	vld.msk [tilespmem:s18+$0x0 ss:$0x1], $0xffff;
	_ =	sdelay $0x4  }
0x2d: {  	vm1 =	vgt.s32 v0, $0x0  }
0x2e: {  	v0 =	vnsel vm1, $0x0, v0  }
0x2f: {  	v0 =	vmin.u32 v0, $0xF423F  }
0x30: {  	s21 =	sand.u32 $0x1, s13;
	v1 =	vshll.u32 v0, $0x3  }
0x31: {  	s15 =	smul.u32 $0xC000, s21;
	v0 =	vand.u32 $0x7F, v0;
	v1 =	vand.u32 $0x7FFC00, v1  }
0x32: {  	v0 =	vor.u32 v0, v1  }
0x33: {  	s17 =	simm.s32 $0x0;
	s15 =	sshrl.u32 s15, $0x2  }
0x34: {  	s19 =	sand.u32 $0xC00, s17;
	s16 =	sor.u32 $0x400, s15  }
0x35: {  	s20 =	sand.u32 $0x70, s17;
	(ifvalue) =	ssetifvalue $0x7FFFFFFF;
	s19 =	sadd.s32 s19, s16;
	v1 =	vor.u32 $0x80, v0  }
0x36: {  	(ifvalue) =	ssetifvalue $0x7FFFFFFF;
	s19 =	sadd.s32 s20, s19  }
0x37: {  	[tilespmem:s19], [sflag:$0x1] =	stream.indirect_vreg.gather [hbm4b:s2+s12], $0x1, v0, vm0, $0x4038;
	[tilespmem:$0x6400] =	vst v63  }
0x38: {  	v2 =	vor.u32 $0x100, v0;
	(ifvalue) =	ssetifvalue $0x7FFFFFFF  }
0x39: {  	s20 =	sadd.s32 $0x80, s19;
	(ifvalue) =	ssetifvalue $0x7FFFFFFF  }
0x3a: {  	[tilespmem:s20], [sflag:$0x1] =	stream.indirect_vreg.gather [hbm4b:s2+s12], $0x1, v1, vm0, $0x4038;
	[tilespmem:$0x6400] =	vst v63  }
0x3b: {  	v1 =	vor.u32 $0x180, v0;
	(ifvalue) =	ssetifvalue $0x7FFFFFFF  }
0x3c: {  	s22 =	sadd.s32 $0x100, s19;
	(ifvalue) =	ssetifvalue $0x7FFFFFFF  }
0x3d: {  	[tilespmem:s22], [sflag:$0x1] =	stream.indirect_vreg.gather [hbm4b:s2+s12], $0x1, v2, vm0, $0x4038;
	[tilespmem:$0x6400] =	vst v63  }
0x3e: {  	v2 =	vor.u32 $0x200, v0;
	(ifvalue) =	ssetifvalue $0x7FFFFFFF  }
0x3f: {  	s23 =	sadd.s32 $0x180, s19;
	(ifvalue) =	ssetifvalue $0x7FFFFFFF  }
0x40: {  	[tilespmem:s23], [sflag:$0x1] =	stream.indirect_vreg.gather [hbm4b:s2+s12], $0x1, v1, vm0, $0x4038;
	[tilespmem:$0x6400] =	vst v63  }
0x41: {  	(ifvalue) =	ssetifvalue $0x7FFFFFFF;
	v1 =	vor.u32 $0x280, v0  }
0x42: {  	s24 =	sadd.s32 $0x200, s19;
	(ifvalue) =	ssetifvalue $0x7FFFFFFF  }
0x43: {  	[tilespmem:s24], [sflag:$0x1] =	stream.indirect_vreg.gather [hbm4b:s2+s12], $0x1, v2, vm0, $0x4038;
	[tilespmem:$0x6400] =	vst v63  }
0x44: {  	(ifvalue) =	ssetifvalue $0x7FFFFFFF;
	v2 =	vor.u32 $0x300, v0  }
0x45: {  	s25 =	sadd.s32 $0x280, s19;
	(ifvalue) =	ssetifvalue $0x7FFFFFFF  }
0x46: {  	[tilespmem:s25], [sflag:$0x1] =	stream.indirect_vreg.gather [hbm4b:s2+s12], $0x1, v1, vm0, $0x4038;
	[tilespmem:$0x6400] =	vst v63  }
0x47: {  	(ifvalue) =	ssetifvalue $0x7FFFFFFF;
	v1 =	vor.u32 $0x380, v0  }
0x48: {  	s17 =	sor.u32 s17, s17;
	s26 =	sadd.s32 $0x300, s19;
	(ifvalue) =	ssetifvalue $0x7FFFFFFF  }
0x49: {  	[tilespmem:s26], [sflag:$0x1] =	stream.indirect_vreg.gather [hbm4b:s2+s12], $0x1, v2, vm0, $0x4038;
	[tilespmem:$0x6400] =	vst v63  }
0x4a: {  	s17 =	sor.u32 $0x380, s17;
	(ifvalue) =	ssetifvalue $0x7FFFFFFF;
	v2 =	vadd.s32 $0x7A1400, v0  }
0x4b: {  	s17 =	sadd.s32 s17, s16;
	(ifvalue) =	ssetifvalue $0x7FFFFFFF  }
0x4c: {  	[tilespmem:s17], [sflag:$0x1] =	stream.indirect_vreg.gather [hbm4b:s2+s12], $0x1, v1, vm0, $0x4038;
	[tilespmem:$0x6400] =	vst v63  }
0x4d: {  	(ifvalue) =	ssetifvalue $0x7FFFFFFF;
	v1 =	vadd.s32 $0x7A1480, v0  }
0x4e: {  	s28 =	sadd.s32 $0x1000, s19;
	(ifvalue) =	ssetifvalue $0x7FFFFFFF  }
0x4f: {  	[tilespmem:s28], [sflag:$0x1] =	stream.indirect_vreg.gather [hbm4b:s2+s12], $0x1, v2, vm0, $0x4038;
	[tilespmem:$0x6400] =	vst v63  }
0x50: {  	(ifvalue) =	ssetifvalue $0x7FFFFFFF;
	v2 =	vadd.s32 $0x7A1500, v0  }
0x51: {  	s29 =	sadd.s32 $0x1080, s19;
	(ifvalue) =	ssetifvalue $0x7FFFFFFF  }
0x52: {  	[tilespmem:s29], [sflag:$0x1] =	stream.indirect_vreg.gather [hbm4b:s2+s12], $0x1, v1, vm0, $0x4038;
	[tilespmem:$0x6400] =	vst v63  }
0x53: {  	(ifvalue) =	ssetifvalue $0x7FFFFFFF;
	v1 =	vadd.s32 $0x7A1580, v0  }
0x54: {  	s30 =	sadd.s32 $0x1100, s19;
	(ifvalue) =	ssetifvalue $0x7FFFFFFF  }
0x55: {  	[tilespmem:s30], [sflag:$0x1] =	stream.indirect_vreg.gather [hbm4b:s2+s12], $0x1, v2, vm0, $0x4038;
	[tilespmem:$0x6400] =	vst v63  }
0x56: {  	(ifvalue) =	ssetifvalue $0x7FFFFFFF;
	v2 =	vadd.s32 $0x7A1600, v0  }
0x57: {  	s31 =	sadd.s32 $0x1180, s19;
	(ifvalue) =	ssetifvalue $0x7FFFFFFF  }
0x58: {  	[tilespmem:s31], [sflag:$0x1] =	stream.indirect_vreg.gather [hbm4b:s2+s12], $0x1, v1, vm0, $0x4038;
	[tilespmem:$0x6400] =	vst v63  }
0x59: {  	(ifvalue) =	ssetifvalue $0x7FFFFFFF;
	v1 =	vadd.s32 $0x7A1680, v0  }
0x5a: {  	s20 =	sadd.s32 $0x1200, s19;
	(ifvalue) =	ssetifvalue $0x7FFFFFFF  }
0x5b: {  	[tilespmem:s20], [sflag:$0x1] =	stream.indirect_vreg.gather [hbm4b:s2+s12], $0x1, v2, vm0, $0x4038;
	[tilespmem:$0x6400] =	vst v63  }
0x5c: {  	(ifvalue) =	ssetifvalue $0x7FFFFFFF;
	v2 =	vadd.s32 $0x7A1700, v0  }
0x5d: {  	s21 =	sadd.s32 $0x1280, s19;
	(ifvalue) =	ssetifvalue $0x7FFFFFFF  }
0x5e: {  	[tilespmem:s21], [sflag:$0x1] =	stream.indirect_vreg.gather [hbm4b:s2+s12], $0x1, v1, vm0, $0x4038;
	[tilespmem:$0x6400] =	vst v63  }
0x5f: {  	(ifvalue) =	ssetifvalue $0x7FFFFFFF;
	v1 =	vadd.s32 $0x7A1780, v0  }
0x60: {  	s22 =	sadd.s32 $0x1300, s19;
	(ifvalue) =	ssetifvalue $0x7FFFFFFF  }
0x61: {  	[tilespmem:s22], [sflag:$0x1] =	stream.indirect_vreg.gather [hbm4b:s2+s12], $0x1, v2, vm0, $0x4038;
	[tilespmem:$0x6400] =	vst v63  }
0x62: {  	(ifvalue) =	ssetifvalue $0x7FFFFFFF;
	v2 =	vadd.s32 $0xF42800, v0  }
0x63: {  	s23 =	sadd.s32 $0x1380, s19;
	(ifvalue) =	ssetifvalue $0x7FFFFFFF  }
0x64: {  	[tilespmem:s23], [sflag:$0x1] =	stream.indirect_vreg.gather [hbm4b:s2+s12], $0x1, v1, vm0, $0x4038;
	[tilespmem:$0x6400] =	vst v63  }
0x65: {  	(ifvalue) =	ssetifvalue $0x7FFFFFFF;
	v1 =	vadd.s32 $0xF42880, v0  }
0x66: {  	s24 =	sadd.s32 $0x2000, s19;
	(ifvalue) =	ssetifvalue $0x7FFFFFFF  }
0x67: {  	[tilespmem:s24], [sflag:$0x1] =	stream.indirect_vreg.gather [hbm4b:s2+s12], $0x1, v2, vm0, $0x4038;
	[tilespmem:$0x6400] =	vst v63  }
0x68: {  	(ifvalue) =	ssetifvalue $0x7FFFFFFF;
	v2 =	vadd.s32 $0xF42900, v0  }
0x69: {  	s25 =	sadd.s32 $0x2080, s19;
	(ifvalue) =	ssetifvalue $0x7FFFFFFF  }
0x6a: {  	[tilespmem:s25], [sflag:$0x1] =	stream.indirect_vreg.gather [hbm4b:s2+s12], $0x1, v1, vm0, $0x4038;
	[tilespmem:$0x6400] =	vst v63  }
0x6b: {  	(ifvalue) =	ssetifvalue $0x7FFFFFFF;
	v1 =	vadd.s32 $0xF42980, v0  }
0x6c: {  	s26 =	sadd.s32 $0x2100, s19;
	(ifvalue) =	ssetifvalue $0x7FFFFFFF  }
0x6d: {  	[tilespmem:s26], [sflag:$0x1] =	stream.indirect_vreg.gather [hbm4b:s2+s12], $0x1, v2, vm0, $0x4038;
	[tilespmem:$0x6400] =	vst v63  }
0x6e: {  	(ifvalue) =	ssetifvalue $0x7FFFFFFF;
	v2 =	vadd.s32 $0xF42A00, v0  }
0x6f: {  	s28 =	sadd.s32 $0x2180, s19;
	(ifvalue) =	ssetifvalue $0x7FFFFFFF  }
0x70: {  	[tilespmem:s28], [sflag:$0x1] =	stream.indirect_vreg.gather [hbm4b:s2+s12], $0x1, v1, vm0, $0x4038;
	[tilespmem:$0x6400] =	vst v63  }
0x71: {  	(ifvalue) =	ssetifvalue $0x7FFFFFFF;
	v1 =	vadd.s32 $0xF42A80, v0  }
0x72: {  	s29 =	sadd.s32 $0x2200, s19;
	(ifvalue) =	ssetifvalue $0x7FFFFFFF  }
0x73: {  	[tilespmem:s29], [sflag:$0x1] =	stream.indirect_vreg.gather [hbm4b:s2+s12], $0x1, v2, vm0, $0x4038;
	[tilespmem:$0x6400] =	vst v63  }
0x74: {  	(ifvalue) =	ssetifvalue $0x7FFFFFFF;
	v2 =	vadd.s32 $0xF42B00, v0  }
0x75: {  	s30 =	sadd.s32 $0x2280, s19;
	(ifvalue) =	ssetifvalue $0x7FFFFFFF  }
0x76: {  	[tilespmem:s30], [sflag:$0x1] =	stream.indirect_vreg.gather [hbm4b:s2+s12], $0x1, v1, vm0, $0x4038;
	[tilespmem:$0x6400] =	vst v63  }
0x77: {  	v0 =	vadd.s32 $0xF42B80, v0;
	(ifvalue) =	ssetifvalue $0x7FFFFFFF  }
0x78: {  	s31 =	sadd.s32 $0x2300, s19;
	(ifvalue) =	ssetifvalue $0x7FFFFFFF  }
0x79: {  	[tilespmem:s31], [sflag:$0x1] =	stream.indirect_vreg.gather [hbm4b:s2+s12], $0x1, v2, vm0, $0x4038;
	[tilespmem:$0x6400] =	vst v63  }
0x7a: {  	s18 =	sadd.s32 $0x10, s18;
	s17 =	simm.s32 $0x10;
	(ifvalue) =	ssetifvalue $0x7FFFFFFF  }
0x7b: {  	s20 =	sadd.s32 $0x2380, s19;
	s19 =	simm.s32 $0x80;
	(ifvalue) =	ssetifvalue $0x7FFFFFFF  }
.LBB2_3:
0x7c: {  	[tilespmem:s20], [sflag:$0x1] =	stream.indirect_vreg.gather [hbm4b:s2+s12], $0x1, v0, vm0, $0x4038;
	[tilespmem:$0x6400] =	vst v63  }
0x7d: {  	p1 =	sne.s32 s17, $0x1F0;
	s21 =	smov.u32 s17;
	s17 =	sadd.s32 $0x10, s17;
	v0 =	vld.msk [tilespmem:s18+$0x0 ss:$0x1], $0xffff  }
0x7e: {  	(ifvalue) =	ssetifvalue $0x7FFFFFFF;
	_ =	sdelay $0x4  }
0x7f: {  	vm1 =	vgt.s32 v0, $0x0  }
0x80: {  	v0 =	vnsel vm1, $0x0, v0  }
0x81: {  	v0 =	vmin.u32 v0, $0xF423F  }
0x82: {  	v1 =	vshll.u32 v0, $0x3  }
0x83: {  	v0 =	vand.u32 $0x7F, v0;
	v1 =	vand.u32 $0x7FFC00, v1  }
0x84: {  	v0 =	vor.u32 v0, v1;
	_ =	sdelay $0x1  }
0x85: {  	s20 =	sand.u32 $0xC00, s19  }
0x86: {  	s22 =	sand.u32 $0x70, s21;
	s20 =	sadd.s32 s20, s16;
	v1 =	vor.u32 $0x80, v0  }
0x87: {  	s20 =	sadd.s32 s22, s20;
	(ifvalue) =	ssetifvalue $0x7FFFFFFF  }
0x88: {  	[tilespmem:s20], [sflag:$0x1] =	stream.indirect_vreg.gather [hbm4b:s2+s12], $0x1, v0, vm0, $0x4038;
	[tilespmem:$0x6400] =	vst v63  }
0x89: {  	v2 =	vor.u32 $0x100, v0;
	(ifvalue) =	ssetifvalue $0x7FFFFFFF  }
0x8a: {  	s22 =	sadd.s32 $0x80, s20;
	(ifvalue) =	ssetifvalue $0x7FFFFFFF  }
0x8b: {  	[tilespmem:s22], [sflag:$0x1] =	stream.indirect_vreg.gather [hbm4b:s2+s12], $0x1, v1, vm0, $0x4038;
	[tilespmem:$0x6400] =	vst v63  }
0x8c: {  	v1 =	vor.u32 $0x180, v0;
	(ifvalue) =	ssetifvalue $0x7FFFFFFF  }
0x8d: {  	s22 =	sadd.s32 $0x100, s20;
	(ifvalue) =	ssetifvalue $0x7FFFFFFF  }
0x8e: {  	[tilespmem:s22], [sflag:$0x1] =	stream.indirect_vreg.gather [hbm4b:s2+s12], $0x1, v2, vm0, $0x4038;
	[tilespmem:$0x6400] =	vst v63  }
0x8f: {  	v2 =	vor.u32 $0x200, v0;
	(ifvalue) =	ssetifvalue $0x7FFFFFFF  }
0x90: {  	s22 =	sadd.s32 $0x180, s20;
	(ifvalue) =	ssetifvalue $0x7FFFFFFF  }
0x91: {  	[tilespmem:s22], [sflag:$0x1] =	stream.indirect_vreg.gather [hbm4b:s2+s12], $0x1, v1, vm0, $0x4038;
	[tilespmem:$0x6400] =	vst v63  }
0x92: {  	v1 =	vor.u32 $0x280, v0;
	(ifvalue) =	ssetifvalue $0x7FFFFFFF  }
0x93: {  	s22 =	sadd.s32 $0x200, s20;
	(ifvalue) =	ssetifvalue $0x7FFFFFFF  }
0x94: {  	[tilespmem:s22], [sflag:$0x1] =	stream.indirect_vreg.gather [hbm4b:s2+s12], $0x1, v2, vm0, $0x4038;
	[tilespmem:$0x6400] =	vst v63  }
0x95: {  	v2 =	vor.u32 $0x300, v0;
	(ifvalue) =	ssetifvalue $0x7FFFFFFF  }
0x96: {  	s22 =	sadd.s32 $0x280, s20;
	(ifvalue) =	ssetifvalue $0x7FFFFFFF  }
0x97: {  	[tilespmem:s22], [sflag:$0x1] =	stream.indirect_vreg.gather [hbm4b:s2+s12], $0x1, v1, vm0, $0x4038;
	[tilespmem:$0x6400] =	vst v63  }
0x98: {  	v1 =	vor.u32 $0x380, v0;
	(ifvalue) =	ssetifvalue $0x7FFFFFFF  }
0x99: {  	s21 =	sor.u32 s19, s21;
	s22 =	sadd.s32 $0x300, s20;
	(ifvalue) =	ssetifvalue $0x7FFFFFFF  }
0x9a: {  	[tilespmem:s22], [sflag:$0x1] =	stream.indirect_vreg.gather [hbm4b:s2+s12], $0x1, v2, vm0, $0x4038;
	[tilespmem:$0x6400] =	vst v63  }
0x9b: {  	s21 =	sor.u32 $0x380, s21;
	v2 =	vadd.s32 $0x7A1400, v0;
	(ifvalue) =	ssetifvalue $0x7FFFFFFF  }
0x9c: {  	s21 =	sadd.s32 s21, s16;
	(ifvalue) =	ssetifvalue $0x7FFFFFFF  }
0x9d: {  	[tilespmem:s21], [sflag:$0x1] =	stream.indirect_vreg.gather [hbm4b:s2+s12], $0x1, v1, vm0, $0x4038;
	[tilespmem:$0x6400] =	vst v63  }
0x9e: {  	v1 =	vadd.s32 $0x7A1480, v0;
	(ifvalue) =	ssetifvalue $0x7FFFFFFF  }
0x9f: {  	s21 =	sadd.s32 $0x1000, s20;
	(ifvalue) =	ssetifvalue $0x7FFFFFFF  }
0xa0: {  	[tilespmem:s21], [sflag:$0x1] =	stream.indirect_vreg.gather [hbm4b:s2+s12], $0x1, v2, vm0, $0x4038;
	[tilespmem:$0x6400] =	vst v63  }
0xa1: {  	v2 =	vadd.s32 $0x7A1500, v0;
	(ifvalue) =	ssetifvalue $0x7FFFFFFF  }
0xa2: {  	s21 =	sadd.s32 $0x1080, s20;
	(ifvalue) =	ssetifvalue $0x7FFFFFFF  }
0xa3: {  	[tilespmem:s21], [sflag:$0x1] =	stream.indirect_vreg.gather [hbm4b:s2+s12], $0x1, v1, vm0, $0x4038;
	[tilespmem:$0x6400] =	vst v63  }
0xa4: {  	v1 =	vadd.s32 $0x7A1580, v0;
	(ifvalue) =	ssetifvalue $0x7FFFFFFF  }
0xa5: {  	s21 =	sadd.s32 $0x1100, s20;
	(ifvalue) =	ssetifvalue $0x7FFFFFFF  }
0xa6: {  	[tilespmem:s21], [sflag:$0x1] =	stream.indirect_vreg.gather [hbm4b:s2+s12], $0x1, v2, vm0, $0x4038;
	[tilespmem:$0x6400] =	vst v63  }
0xa7: {  	v2 =	vadd.s32 $0x7A1600, v0;
	(ifvalue) =	ssetifvalue $0x7FFFFFFF  }
0xa8: {  	s21 =	sadd.s32 $0x1180, s20;
	(ifvalue) =	ssetifvalue $0x7FFFFFFF  }
0xa9: {  	[tilespmem:s21], [sflag:$0x1] =	stream.indirect_vreg.gather [hbm4b:s2+s12], $0x1, v1, vm0, $0x4038;
	[tilespmem:$0x6400] =	vst v63  }
0xaa: {  	v1 =	vadd.s32 $0x7A1680, v0;
	(ifvalue) =	ssetifvalue $0x7FFFFFFF  }
0xab: {  	s21 =	sadd.s32 $0x1200, s20;
	(ifvalue) =	ssetifvalue $0x7FFFFFFF  }
0xac: {  	[tilespmem:s21], [sflag:$0x1] =	stream.indirect_vreg.gather [hbm4b:s2+s12], $0x1, v2, vm0, $0x4038;
	[tilespmem:$0x6400] =	vst v63  }
0xad: {  	v2 =	vadd.s32 $0x7A1700, v0;
	(ifvalue) =	ssetifvalue $0x7FFFFFFF  }
0xae: {  	s21 =	sadd.s32 $0x1280, s20;
	(ifvalue) =	ssetifvalue $0x7FFFFFFF  }
0xaf: {  	[tilespmem:s21], [sflag:$0x1] =	stream.indirect_vreg.gather [hbm4b:s2+s12], $0x1, v1, vm0, $0x4038;
	[tilespmem:$0x6400] =	vst v63  }
0xb0: {  	v1 =	vadd.s32 $0x7A1780, v0;
	(ifvalue) =	ssetifvalue $0x7FFFFFFF  }
0xb1: {  	s21 =	sadd.s32 $0x1300, s20;
	(ifvalue) =	ssetifvalue $0x7FFFFFFF  }
0xb2: {  	[tilespmem:s21], [sflag:$0x1] =	stream.indirect_vreg.gather [hbm4b:s2+s12], $0x1, v2, vm0, $0x4038;
	[tilespmem:$0x6400] =	vst v63  }
0xb3: {  	v2 =	vadd.s32 $0xF42800, v0;
	(ifvalue) =	ssetifvalue $0x7FFFFFFF  }
0xb4: {  	s21 =	sadd.s32 $0x1380, s20;
	(ifvalue) =	ssetifvalue $0x7FFFFFFF  }
0xb5: {  	[tilespmem:s21], [sflag:$0x1] =	stream.indirect_vreg.gather [hbm4b:s2+s12], $0x1, v1, vm0, $0x4038;
	[tilespmem:$0x6400] =	vst v63  }
0xb6: {  	v1 =	vadd.s32 $0xF42880, v0;
	(ifvalue) =	ssetifvalue $0x7FFFFFFF  }
0xb7: {  	s21 =	sadd.s32 $0x2000, s20;
	(ifvalue) =	ssetifvalue $0x7FFFFFFF  }
0xb8: {  	[tilespmem:s21], [sflag:$0x1] =	stream.indirect_vreg.gather [hbm4b:s2+s12], $0x1, v2, vm0, $0x4038;
	[tilespmem:$0x6400] =	vst v63  }
0xb9: {  	v2 =	vadd.s32 $0xF42900, v0;
	(ifvalue) =	ssetifvalue $0x7FFFFFFF  }
0xba: {  	s21 =	sadd.s32 $0x2080, s20;
	(ifvalue) =	ssetifvalue $0x7FFFFFFF  }
0xbb: {  	[tilespmem:s21], [sflag:$0x1] =	stream.indirect_vreg.gather [hbm4b:s2+s12], $0x1, v1, vm0, $0x4038;
	[tilespmem:$0x6400] =	vst v63  }
0xbc: {  	v1 =	vadd.s32 $0xF42980, v0;
	(ifvalue) =	ssetifvalue $0x7FFFFFFF  }
0xbd: {  	s21 =	sadd.s32 $0x2100, s20;
	(ifvalue) =	ssetifvalue $0x7FFFFFFF  }
0xbe: {  	[tilespmem:s21], [sflag:$0x1] =	stream.indirect_vreg.gather [hbm4b:s2+s12], $0x1, v2, vm0, $0x4038;
	[tilespmem:$0x6400] =	vst v63  }
0xbf: {  	v2 =	vadd.s32 $0xF42A00, v0;
	(ifvalue) =	ssetifvalue $0x7FFFFFFF  }
0xc0: {  	s21 =	sadd.s32 $0x2180, s20;
	(ifvalue) =	ssetifvalue $0x7FFFFFFF  }
0xc1: {  	[tilespmem:s21], [sflag:$0x1] =	stream.indirect_vreg.gather [hbm4b:s2+s12], $0x1, v1, vm0, $0x4038;
	[tilespmem:$0x6400] =	vst v63  }
0xc2: {  	v1 =	vadd.s32 $0xF42A80, v0;
	(ifvalue) =	ssetifvalue $0x7FFFFFFF  }
0xc3: {  	s21 =	sadd.s32 $0x2200, s20;
	(ifvalue) =	ssetifvalue $0x7FFFFFFF  }
0xc4: {  	[tilespmem:s21], [sflag:$0x1] =	stream.indirect_vreg.gather [hbm4b:s2+s12], $0x1, v2, vm0, $0x4038;
	[tilespmem:$0x6400] =	vst v63  }
0xc5: {  	v2 =	vadd.s32 $0xF42B00, v0;
	(ifvalue) =	ssetifvalue $0x7FFFFFFF  }
0xc6: {  	s21 =	sadd.s32 $0x2280, s20;
	(ifvalue) =	ssetifvalue $0x7FFFFFFF  }
0xc7: {  	[tilespmem:s21], [sflag:$0x1] =	stream.indirect_vreg.gather [hbm4b:s2+s12], $0x1, v1, vm0, $0x4038;
	[tilespmem:$0x6400] =	vst v63  }
.Ltmp3:
0xc8: {  	v0 =	vadd.s32 $0xF42B80, v0;
	(ifvalue) =	ssetifvalue $0x7FFFFFFF;
	(pc) =	sbr.rel @p1 .LBB2_3-.Ltmp3, $4  }
0xc9: {  	s21 =	sadd.s32 $0x2300, s20;
	(ifvalue) =	ssetifvalue $0x7FFFFFFF  }
0xca: {  	[tilespmem:s21], [sflag:$0x1] =	stream.indirect_vreg.gather [hbm4b:s2+s12], $0x1, v2, vm0, $0x4038;
	[tilespmem:$0x6400] =	vst v63  }
0xcb: {  	s18 =	sadd.s32 $0x10, s18;
	(ifvalue) =	ssetifvalue $0x7FFFFFFF  }
0xcc: {  	s19 =	sadd.s32 $0x80, s19;
	s20 =	sadd.s32 $0x2380, s20;
	(ifvalue) =	ssetifvalue $0x7FFFFFFF  }
.Ltmp4:
0xcd: {  	_ = 	snop;
	(pc) =	sbr.rel .LBB2_4-.Ltmp4, $1  }
0xce: {  	_ =	sdelay $0x3  }
.LBB2_6:
0xcf: {  	_ =	sfence.sel $0x180000  }
0xd0: {  	s2 =	simm.s32 $0x2;
	[bflag:$0x0] =	sbarrier.arrive $0xFFFF  }
0xd1: {  	s30 =	simm.s32 $0x3;
	[sflag:s2] =	ssyncpa.u1 $0x1  }
0xd2: {  	s31 =	simm.s32 $0x1;
	[sflag:s30] =	ssyncpa.u1 $0x1  }
0xd3: {  	[sflag:s31] =	ssyncpa.u1 $0x1  }
0xd4: {  	p0 =	sne.s32 s1, $0x0;
	_ =	strace $0x90000050  }
0xd5: {  	s0 =	sadd.s32 @!p0 $0x100000, s0;
	[bflag:$0x2] =	sbarrier.arrive $0xFFFF  }
0xd6: {  	[sflag:s0] =	ssyncadd.tile.s32 @!p0 $0x1;
	_ =	shalt  }
.Lfunc_end2:
_tile_overlayer_lowered:
.L_overlay_start_2:
0xd7: {  	(tag) =	ssettag $0x2  }
0xd8: {  	s0 =	rddreg [dreg:$0x0];
	s2 =	stileid.u32  }
0xd9: {  	s1 =	rddreg [dreg:$0x1];
	p0 =	sne.s32 s2, $0x0  }
0xda: {  	s3 =	rddreg [dreg:$0x2];
	[bflag:$0x3] =	sbarrier.arrive $0xFFFF;
	s2 =	simm.s32 @!p0 $0x1C01  }
0xdb: {  	[timem:s3], [sflag:s2] =	dma.local @!p0 [hbm:s0], s1  }
0xdc: {  	s0 =	simm.s32 @!p0 $0x1  }
0xdd: {  	_ =	swait.ge @!p0 [sflag:s0], s1  }
0xde: {  	s1 =	ssub.s32 @!p0 $0x0, s1;
	[sflag:s0] =	ssyncset.done @!p0 $0x0  }
0xdf: {  	[sflag:s0] =	ssyncadd.s32 @!p0 s1  }
0xe0: {  	[bflag:$0x3] =	sbarrier.arrive $0xFFFF  }
0xe1: {  	_ =	shalt  }

// kernel: gather_offload_async_start.2
scs
__scs_entry_jumppad:
0x0: {  	(pc) =	sbr.rel $0x88, $3  }
0x1: {  	(tag) =	ssettag $0x0;
	lr =	simm.s32 $0x1  }
0x2: {  	[smem:$0x3F93] =	sst lr;
	_ =	strace $0xD0000000  }
0x3: {  	_ = 	snop  }
0x4: {  	_ = 	snop  }
0x5: {  	_ = 	snop  }
0x6: {  	_ = 	snop  }
0x7: {  	_ = 	snop  }
__scs_overlays_trampoline_lowered:
0x8: {  	[smem:$0x3FA2] =	sst s0  }
0x9: {  	[smem:$0x3FA3] =	sst s1  }
0xa: {  	[smem:$0x3FA4] =	sst s2  }
0xb: {  	[smem:$0x3FA5] =	sst s3  }
0xc: {  	[smem:$0x3FA6] =	sst s4  }
0xd: {  	[smem:$0x3FA7] =	sst s5  }
0xe: {  	[smem:$0x3FA8] =	sst s6  }
0xf: {  	[smem:$0x3FA9] =	sst s7  }
0x10: {  	[smem:$0x3FAA] =	sst s8  }
0x11: {  	[smem:$0x3FAB] =	sst s9;
	s0 =	simm.s32 @!p0 $0x0  }
0x12: {  	s1 =	sld [smem:$0x3F91];
	s0 =	simm.s32 @p0 $0x1  }
0x13: {  	[smem:$0x3FAC] =	sst s0;
	s0 =	simm.s32 @!p1 $0x0  }
0x14: {  	s2 =	sld [smem:$0x3F90];
	s0 =	simm.s32 @p1 $0x1  }
0x15: {  	[smem:$0x3FAD] =	sst s0;
	s0 =	simm.s32 @!p2 $0x0  }
0x16: {  	s3 =	sld [smem:$0x3FDB];
	s0 =	simm.s32 @p2 $0x1  }
0x17: {  	s4 =	simm.s32 $0x1BF5;
	[smem:$0x3FAF] =	sst s0  }
0x18: {  	s0 =	sld [smem:$0x3F92];
	_ =	swait.ge [sflag:s4], $0x0  }
0x19: {  	s7 =	sld [smem:$0x3F93]  }
0x1a: {  	s8 =	sadd.s32 $0xFFFFE003, lr  }
0x1b: {  	s9 =	sadd.s32 $0xFFFFFEF7, lr;
	s5 =	simm.s32 $0xFFFFFFFF;
	p2 =	slt.u32 s8, $0xFFFFF086  }
0x1c: {  	p1 =	slt.u32 s9, $0xF7A;
	s5 =	simm.s32 @!p2 $0x0  }
0x1d: {  	s5 =	simm.s32 @p1 $0x1;
	p0 =	seq.s32 s7, s2  }
0x1e: {  	s7 =	smul.u32 @!p0 $0xF7A, s2;
	p2 =	seq.s32 @!p0 s5, $0x0  }
0x1f: {  	s9 =	smul.u32 $0xF7A, s1;
	s8 =	simm.s32 @!p0 $0x1BF5;
	p2 =	por !p2, p0  }
0x20: {  	[sflag:s8] =	ssyncset.s32 @!p0 $0xFFFFF086;
	s6 =	sadd.s32 @!p0 s3, s7;
	s7 =	simm.s32 @!p0 $0x108  }
0x21: {  	s3 =	sadd.s32 s3, s9;
	s6 =	sadd.s32 @!p0 $0x88, s6;
	s7 =	simm.s32 @p2 $0x1082  }
0x22: {  	[simem:s7], [sflag:s8] =	dma.local @!p0 [hbm:s6], $0xF7A  }
0x23: {  	s9 =	sor.u32 $0xD0000000, s2;
	s6 =	simm.s32 $0x108;
	_ =	swait.ge @!p0 [sflag:s8], $0x0  }
0x24: {  	s3 =	sadd.s32 $0x88, s3;
	s6 =	simm.s32 @!p1 $0x1082;
	[sflag:s4] =	ssyncset.s32 $0xFFFFF086  }
0x25: {  	[simem:s6], [sflag:s4] =	dma.local [hbm:s3], $0xF7A  }
0x26: {  	[smem:$0x3F93] =	sst s1;
	(tag) =	ssettag s2;
	_ =	strace s9  }
0x27: {  	s1 =	sld [smem:$0x3FA3]  }
0x28: {  	s2 =	sld [smem:$0x3FA4]  }
0x29: {  	s4 =	sld [smem:$0x3FA6]  }
0x2a: {  	p0 =	seq.s32 s5, $0x0;
	s5 =	sld [smem:$0x3FA7]  }
0x2b: {  	s6 =	sld [smem:$0x3FA8]  }
0x2c: {  	s7 =	sld [smem:$0x3FA9]  }
0x2d: {  	s3 =	simm.s32 $0x108;
	s8 =	sld [smem:$0x3FAA]  }
0x2e: {  	s3 =	simm.s32 @!p0 $0x1082;
	s9 =	sld [smem:$0x3FAB]  }
0x2f: {  	lr =	sadd.s32 s0, s3;
	s0 =	sld [smem:$0x3FA2]  }
0x30: {  	s3 =	sld [smem:$0x3FA5]  }
0x31: {  	[smem:$0x3FAE] =	sst s10  }
0x32: {  	s10 =	sld [smem:$0x3FAC];
	_ =	sdelay $0x3  }
0x33: {  	p0 =	seq.s32 s10, $0x1;
	s10 =	sld [smem:$0x3FAE];
	_ =	sdelay $0x3  }
0x34: {  	[smem:$0x3FAE] =	sst s10  }
0x35: {  	s10 =	sld [smem:$0x3FAD];
	_ =	sdelay $0x3  }
0x36: {  	p1 =	seq.s32 s10, $0x1;
	s10 =	sld [smem:$0x3FAE];
	_ =	sdelay $0x3  }
0x37: {  	[smem:$0x3FAE] =	sst s10  }
0x38: {  	s10 =	sld [smem:$0x3FAF]  }
0x39: {  	_ = 	snop;
	(pc) =	sbr.ind lr, $3  }
0x3a: {  	_ = 	snop  }
0x3b: {  	_ = 	snop  }
0x3c: {  	p2 =	seq.s32 s10, $0x1;
	s10 =	sld [smem:$0x3FAE]  }
0x3d: {  	_ =	shalt  }
0x3e: {  	_ =	shalt  }
0x3f: {  	_ =	shalt  }
0x40: {  	_ =	shalt  }
0x41: {  	_ =	shalt  }
0x42: {  	_ =	shalt  }
0x43: {  	_ =	shalt  }
0x44: {  	_ =	shalt  }
0x45: {  	_ =	shalt  }
0x46: {  	_ =	shalt  }
0x47: {  	_ =	shalt  }
0x48: {  	_ =	shalt  }
0x49: {  	_ =	shalt  }
0x4a: {  	_ =	shalt  }
0x4b: {  	_ =	shalt  }
0x4c: {  	_ =	shalt  }
0x4d: {  	_ =	shalt  }
0x4e: {  	_ =	shalt  }
0x4f: {  	_ =	shalt  }
0x50: {  	_ =	shalt  }
0x51: {  	_ =	shalt  }
0x52: {  	_ =	shalt  }
0x53: {  	_ =	shalt  }
0x54: {  	_ =	shalt  }
0x55: {  	_ =	shalt  }
0x56: {  	_ =	shalt  }
0x57: {  	_ =	shalt  }
0x58: {  	_ =	shalt  }
0x59: {  	_ =	shalt  }
0x5a: {  	_ =	shalt  }
0x5b: {  	_ =	shalt  }
0x5c: {  	_ =	shalt  }
0x5d: {  	_ =	shalt  }
0x5e: {  	_ =	shalt  }
0x5f: {  	_ =	shalt  }
0x60: {  	_ =	shalt  }
0x61: {  	_ =	shalt  }
0x62: {  	_ =	shalt  }
0x63: {  	_ =	shalt  }
0x64: {  	_ =	shalt  }
0x65: {  	_ =	shalt  }
0x66: {  	_ =	shalt  }
0x67: {  	_ =	shalt  }
0x68: {  	_ =	shalt  }
0x69: {  	_ =	shalt  }
0x6a: {  	_ =	shalt  }
0x6b: {  	_ =	shalt  }
0x6c: {  	_ =	shalt  }
0x6d: {  	_ =	shalt  }
0x6e: {  	_ =	shalt  }
0x6f: {  	_ =	shalt  }
0x70: {  	_ =	shalt  }
0x71: {  	_ =	shalt  }
0x72: {  	_ =	shalt  }
0x73: {  	_ =	shalt  }
0x74: {  	_ =	shalt  }
0x75: {  	_ =	shalt  }
0x76: {  	_ =	shalt  }
0x77: {  	_ =	shalt  }
0x78: {  	_ =	shalt  }
0x79: {  	_ =	shalt  }
0x7a: {  	_ =	shalt  }
0x7b: {  	_ =	shalt  }
0x7c: {  	_ =	shalt  }
0x7d: {  	_ =	shalt  }
0x7e: {  	_ =	shalt  }
0x7f: {  	_ =	shalt  }
0x80: {  	_ =	shalt  }
0x81: {  	_ =	shalt  }
0x82: {  	_ =	shalt  }
0x83: {  	_ =	shalt  }
0x84: {  	_ =	shalt  }
0x85: {  	_ =	shalt  }
0x86: {  	_ =	shalt  }
0x87: {  	_ =	shalt  }
.Lfunc_end0:
.L_simem_size_0:
called_computation.2_lowered:
.L_overlay_start_0:
0x88: {  	s2 =	sld [smem:$0x3FD9]  }
0x89: {  	s3 =	sld [smem:$0x3FFE];
	_ =	sdelay $0x1  }
0x8a: {  	s1 =	srdreg.scid  }
0x8b: {  	s0 =	sand.u32 $0x1, s1  }
0x8c: {  	s16 =	sshll.u32 s0, $0xA;
	s2 =	sadd.s32 s3, s2  }
0x8d: {  	s2 =	sadd.s32 s2, s16  }
0x8e: {  	[smem:$0x3FBA] =	sst s2  }
0x8f: {  	_ = 	snop  }
0x90: {  	(tm) =	ssettm $0x1  }
0x91: {  	s17 =	sld [smem:$0x3FFB];
	_ =	sdelay $0x3  }
0x92: {  	_ =	strace s17  }
0x93: {  	s2 =	sld [smem:$0x3FFC];
	_ =	sdelay $0x3  }
0x94: {  	_ =	strace s2  }
0x95: {  	s2 =	sld [smem:$0x3FFD];
	_ =	sdelay $0x3  }
0x96: {  	_ =	strace s2  }
0x97: {  	_ =	strace $0x8FFFFFFF  }
0x98: {  	s18 =	sld [smem:$0x3FDB];
	_ =	sdelay $0x1  }
0x99: {  	s19 =	simm.s32 $_scs_section_size  }
0x9a: {  	s4 =	simm.s32 $_size__tile_overlayer_lowered;
	s5 =	simm.s32 $_tile_overlayer_lowered  }
0x9b: {  	s22 =	simm.s32 $0x1BFF;
	s21 =	sshll.u32 s5, $0x1;
	s2 =	sadd.s32 s19, s18  }
0x9c: {  	s6 =	simm.s32 $0x0;
	s20 =	sshll.u32 s4, $0x1;
	s4 =	sadd.s32 s21, s2  }
0x9d: {  	[timem:s6], [sflag:s22] =	dma.local [hbm:s4], s20  }
0x9e: {  	_ =	swait.ge [sflag:s22], s20  }
0x9f: {  	s3 =	ssub.s32 $0x0, s20;
	[sflag:s22] =	ssyncset.done $0x0  }
0xa0: {  	[sflag:s22] =	ssyncadd.s32 s3;
	_ =	sdelay $0x1  }
0xa1: {  	s23 =	simm.s32 $0x1B8B  }
0xa2: {  	_ =	swait.ge [sflag:s23], $0x1  }
0xa3: {  	[sflag:s23] =	ssyncset.done $0x0  }
0xa4: {  	s25 =	simm.s32 $0x1B8E;
	s24 =	sld [smem:$0x3FFE];
	[sflag:s23] =	ssyncadd.s32 $0xFFFFFFFF  }
0xa5: {  	s26 =	simm.s32 $execute0_lowered;
	[smem:$0x3FD2] =	sst s25  }
0xa6: {  	s4 =	sshll.u32 s26, $0x1;
	_ =	strace $0x80000046;
	[dreg:$0x1] =	wrdreg $0xFFFFFFFF  }
0xa7: {  	s28 =	simm.s32 $_size_execute0_lowered;
	s2 =	sadd.s32 s2, s4;
	[dreg:$0x0] =	wrdreg $0x0  }
0xa8: {  	s4 =	sshll.u32 s28, $0x1;
	[dreg:$0x2] =	wrdreg s2  }
0xa9: {  	[dreg:$0x3] =	wrdreg s4  }
0xaa: {  	[dreg:$0x4] =	wrdreg $0xC0  }
0xab: {  	_ =	task [dreg:s6], $0x5FFFF  }
0xac: {  	[dreg:$0x1] =	wrdreg $0xFFFFFFFF  }
0xad: {  	[dreg:$0x0] =	wrdreg $0x60  }
0xae: {  	[dreg:$0x2] =	wrdreg s24  }
0xaf: {  	[dreg:$0x3] =	wrdreg $0xB  }
0xb0: {  	_ =	task.clear_ibuf [dreg:s6], $0x4FFFF;
	_ =	strace $0x90000046  }
0xb1: {  	s29 =	simm.s32 $0xB;
	_ =	strace $0x80000048  }
0xb2: {  	_ =	swait.ge [sflag:s29], $0x1  }
0xb3: {  	[sflag:s29] =	ssyncadd.s32 $0xFFFFFFFF  }
0xb4: {  	_ =	strace $0x90000048  }
0xb5: {  	_ =	sfence  }
0xb6: {  	s30 =	sld [smem:$0x0];
	_ =	sdelay $0x2  }
0xb7: {  	s31 =	sshll.u32 s1, $0xD;
	s1 =	sshrl.u32 s1, $0x2  }
0xb8: {  	s3 =	sand.u32 $0x4000, s31;
	s1 =	sadd.s32 s1, s30  }
0xb9: {  	s0 =	sor.u32 s3, s0;
	s1 =	sshll.u32 s1, $0x11  }
0xba: {  	s0 =	sor.u32 s1, s0  }
0xbb: {  	s0 =	sadd.s32 $0x8F2B, s0  }
0xbc: {  	[sflag:s0] =	ssyncadd.remote.s32 $0x1  }
0xbd: {  	_ =	sfence.sel $0xFFFF  }
0xbe: {  	[dreg:$0x0] =	wrdreg $0xFFFFFFFF;
	(pc) =	sbr.abs _section_cstart, $3  }
0xbf: {  	[dreg:$0x1] =	wrdreg $0xFFFFFFFF  }
0xc0: {  	_ =	task.clear_ibuf [dreg:s6], $0x2FFFF;
	_ =	strace $0x9FFFFFFF  }
0xc1: {  	(tm) =	ssettm $0x7FFFFFFF  }
tec
execute0_lowered:
.L_overlay_start_1:
0x0: {  	(tag) =	ssettag $0x1  }
0x1: {  	s0 =	srdreg.scid;
	s5 =	rddreg [dreg:$0x0]  }
0x2: {  	s1 =	stileid.u32;
	s6 =	simm.s32 $0x1;
	s9 =	simm.s32 $0x1  }
0x3: {  	s10 =	simm.s32 $0x3;
	s13 =	simm.s32 $0x0;
	s2 =	sshll.u32 s0, $0x8  }
0x4: {  	s12 =	simm.s32 $0x0;
	s3 =	sshll.u32 s1, $0x9;
	s2 =	sand.u32 $0x100, s2  }
0x5: {  	s0 =	rddreg [dreg:$0x1];
	_ =	strace $0x80000047;
	s2 =	sor.u32 s3, s2  }
0x6: {  	s4 =	sadd.s32 $0x4E00, s5;
	[sflag:s6] =	ssyncpa.u1 $0x0;
	s8 =	ssub.s32 $0x4000, s2  }
.Ltmp0:
0x7: {  	s3 =	sadd.s32 $0x5600, s5;
	s7 =	sand.u32 $0x1F00, s8;
	(pc) =	sbr.rel .LBB2_1-.Ltmp0, $4  }
0x8: {  	s5 =	sadd.s32 $0x24000, s5;
	s11 =	smov.u32 s2;
	p0 =	sne.s32 s7, $0x0  }
0x9: {  	s8 =	sshrl.u32 s8, $0xD;
	s7 =	simm.s32 $0x2;
	s9 =	simm.s32 @!p0 $0x0  }
0xa: {  	[sflag:s7] =	ssyncpa.u1 $0x0;
	p0 =	por $0x0, $0x0;
	s8 =	sadd.s32 s9, s8  }
0xb: {  	vm0 =	vmmov $0xffff;
	[sflag:s10] =	ssyncpa.u1 $0x0;
	s10 =	simm.s32 $0x0;
	s9 =	sadd.s32 $0x1, s8  }
.LBB2_4:
0xc: {  	v2 =	vnsel vm1, $0x0, v2  }
0xd: {  	vm1 =	vgt.s32 v0, $0x0;
	v2 =	vmin.u32 v2, $0xF423F  }
0xe: {  	v0 =	vnsel vm1, $0x0, v0  }
0xf: {  	v0 =	vmin.u32 v0, $0xF423F  }
0x10: {  	[tilespmem:s15], [sflag:$0x1] =	stream.indirect_vreg.gather [hbm4b:s3+s10], $0x1, v1, vm0, $0x4038;
	[tilespmem:$0x400] =	vst v63  }
0x11: {  	(ifvalue) =	ssetifvalue $0x7FFFFFFF  }
0x12: {  	[tilespmem:s16], [sflag:$0x1] =	stream.indirect_vreg.gather [hbm4b:s3+s10], $0x1, v2, vm0, $0x4038;
	[tilespmem:$0x400] =	vst v63  }
0x13: {  	s29 =	sadd.s32 $0x10, s16;
	(ifvalue) =	ssetifvalue $0x7FFFFFFF  }
0x14: {  	[tilespmem:s29], [sflag:$0x1] =	stream.indirect_vreg.gather [hbm4b:s3+s10], $0x1, v0, vm0, $0x4038;
	[tilespmem:$0x400] =	vst v63  }
0x15: {  	_ =	swait.ge [sflag:s6], $0x100  }
0x16: {  	s30 =	sshrl.u32 s13, $0x3;
	[sflag:s6] =	ssyncset.done $0x0  }
0x17: {  	s31 =	sand.u32 $0x7, s13;
	s15 =	sadd.s32 s5, s30;
	[sflag:s6] =	ssyncadd.s32 $0xFFFFFF00  }
0x18: {  	[hbm4b:s15+s31] =	stream.linear.scatter [tilespmem:s14], [sflag:$0x3], $0x100, $0x38;
	[tilespmem:$0x400] =	vst v63  }
.LBB2_5:
0x19: {  	s15 =	sadd.s32 $0x2000, s11  }
0x1a: {  	p2 =	sgt.s32 s15, $0x3FFF  }
0x1b: {  	s15 =	smov.u32 @p2 s2;
	p2 =	sne.s32 s12, s9  }
.Ltmp1:
0x1c: {  	p1 =	slt.u32 s12, $0x2;
	(pc) =	sbr.rel @!p2 .LBB2_6-.Ltmp1, $4  }
0x1d: {  	s14 =	simm.s32 @!p1 $0x3  }
0x1e: {  	s16 =	sadd.s32 $0x1, s12;
	_ =	swait.ge @!p1 [sflag:s14], $0x100  }
0x1f: {  	s13 =	smov.u32 s11;
	p0 =	por !p0, !p0;
	[sflag:s14] =	ssyncset.done @!p1 $0x0  }
0x20: {  	s12 =	smov.u32 s16;
	s11 =	smov.u32 s15;
	[sflag:s14] =	ssyncadd.s32 @!p1 $0xFFFFFF00  }
.LBB2_1:
0x21: {  	p1 =	sge.u32 s12, s8  }
0x22: {  	s14 =	sxor.u32 @!p1 $0xFFFFFFFF, s12  }
0x23: {  	s31 =	sadd.s32 $0xFFFFFFFF, s12;
	s15 =	sshrl.u32 @!p1 s11, $0x3;
	s14 =	sshll.u32 @!p1 s14, $0x8  }
0x24: {  	s16 =	sand.u32 @!p1 $0x7, s11;
	s15 =	sadd.s32 @!p1 s4, s15;
	s14 =	sand.u32 @!p1 $0x100, s14  }
0x25: {  	[tilespmem:s14], [sflag:$0x2] =	stream.linear.gather @!p1 [hbm4b:s15+s16], $0x100, $0x38;
	[tilespmem:$0x400] =	vst v63  }
0x26: {  	p1 =	sge.u32 s31, s8  }
.Ltmp2:
0x27: {  	_ = 	snop;
	(pc) =	sbr.rel @p1 .LBB2_5-.Ltmp2, $1  }
0x28: {  	_ =	sdelay $0x3  }
0x29: {  	s14 =	simm.s32 $0x1  }
0x2a: {  	_ =	swait.ge [sflag:s7], $0x100;
	s14 =	simm.s32 @!p0 $0x0  }
0x2b: {  	[sflag:s7] =	ssyncset.done $0x0;
	s14 =	sshll.u32 s14, $0x8  }
0x2c: {  	[sflag:s7] =	ssyncadd.s32 $0xFFFFFF00;
	(ifvalue) =	ssetifvalue $0x7FFFFFFF;
	v0 =	vld.msk [tilespmem:s14+$0x0 ss:$0x1], $0xffff;
	_ =	sdelay $0x4  }
0x2d: {  	s15 =	sadd.s32 $0x10, s14;
	vm1 =	vgt.s32 v0, $0x0  }
0x2e: {  	v2 =	vld.msk [tilespmem:s15+$0x0 ss:$0x1], $0xffff;
	v1 =	vnsel vm1, $0x0, v0  }
0x2f: {  	v1 =	vmin.u32 v1, $0xF423F;
	_ =	sdelay $0x1  }
0x30: {  	s16 =	sshll.u32 s12, $0x8;
	s18 =	simm.s32 $0x20  }
0x31: {  	s16 =	sand.u32 $0x100, s16;
	s17 =	sadd.s32 $0x10, s15;
	s15 =	sor.u32 $0x200, s14  }
0x32: {  	s14 =	sor.u32 $0x200, s16;
	s16 =	sadd.s32 $0x10, s15;
	v0 =	vld.msk [tilespmem:s17+$0x0 ss:$0x1], $0xffff;
	vm1 =	vgt.s32 v2, $0x0;
	(ifvalue) =	ssetifvalue $0x7FFFFFFF  }
.LBB2_3:
0x33: {  	[tilespmem:s15], [sflag:$0x1] =	stream.indirect_vreg.gather [hbm4b:s3+s10], $0x1, v1, vm0, $0x4038;
	[tilespmem:$0x400] =	vst v63  }
0x34: {  	s18 =	sadd.s32 $0x10, s18  }
0x35: {  	v2 =	vnsel vm1, $0x0, v2;
	p1 =	slt.u32 s18, $0xF0  }
.Ltmp3:
0x36: {  	s15 =	smov.u32 s16;
	v1 =	vmin.u32 v2, $0xF423F;
	(pc) =	sbr.rel @p1 .LBB2_3-.Ltmp3, $3  }
0x37: {  	_ =	sdelay $0x1  }
0x38: {  	s17 =	sadd.s32 $0x10, s17  }
0x39: {  	vm1 =	vgt.s32 v0, $0x0;
	s16 =	sadd.s32 $0x10, s16;
	v2 =	vmov v0;
	(ifvalue) =	ssetifvalue $0x7FFFFFFF;
	v0 =	vld.msk [tilespmem:s17+$0x0 ss:$0x1], $0xffff  }
.Ltmp4:
0x3a: {  	_ = 	snop;
	(pc) =	sbr.rel .LBB2_4-.Ltmp4, $1  }
0x3b: {  	_ =	sdelay $0x3  }
.LBB2_6:
0x3c: {  	_ =	sfence.sel $0x180000  }
0x3d: {  	s2 =	simm.s32 $0x2;
	[bflag:$0x0] =	sbarrier.arrive $0xFFFF  }
0x3e: {  	s30 =	simm.s32 $0x3;
	[sflag:s2] =	ssyncpa.u1 $0x1  }
0x3f: {  	s31 =	simm.s32 $0x1;
	[sflag:s30] =	ssyncpa.u1 $0x1  }
0x40: {  	[sflag:s31] =	ssyncpa.u1 $0x1  }
0x41: {  	p0 =	sne.s32 s1, $0x0;
	_ =	strace $0x90000047  }
0x42: {  	s0 =	sadd.s32 @!p0 $0x100000, s0;
	[bflag:$0x2] =	sbarrier.arrive $0xFFFF  }
0x43: {  	[sflag:s0] =	ssyncadd.tile.s32 @!p0 $0x1;
	_ =	shalt  }
.Lfunc_end2:
_tile_overlayer_lowered:
.L_overlay_start_2:
0x44: {  	(tag) =	ssettag $0x2  }
0x45: {  	s0 =	rddreg [dreg:$0x0];
	s2 =	stileid.u32  }
0x46: {  	s1 =	rddreg [dreg:$0x1];
	p0 =	sne.s32 s2, $0x0  }
0x47: {  	s3 =	rddreg [dreg:$0x2];
	[bflag:$0x3] =	sbarrier.arrive $0xFFFF;
	s2 =	simm.s32 @!p0 $0x1C01  }
0x48: {  	[timem:s3], [sflag:s2] =	dma.local @!p0 [hbm:s0], s1  }
0x49: {  	s0 =	simm.s32 @!p0 $0x1  }
0x4a: {  	_ =	swait.ge @!p0 [sflag:s0], s1  }
0x4b: {  	s1 =	ssub.s32 @!p0 $0x0, s1;
	[sflag:s0] =	ssyncset.done @!p0 $0x0  }
0x4c: {  	[sflag:s0] =	ssyncadd.s32 @!p0 s1  }
0x4d: {  	[bflag:$0x3] =	sbarrier.arrive $0xFFFF  }
0x4e: {  	_ =	shalt  }

// kernel: gather_offload_async_start.3
scs
__scs_entry_jumppad:
0x0: {  	(pc) =	sbr.rel $0x88, $3  }
0x1: {  	(tag) =	ssettag $0x0;
	lr =	simm.s32 $0x1  }
0x2: {  	[smem:$0x3F93] =	sst lr;
	_ =	strace $0xD0000000  }
0x3: {  	_ = 	snop  }
0x4: {  	_ = 	snop  }
0x5: {  	_ = 	snop  }
0x6: {  	_ = 	snop  }
0x7: {  	_ = 	snop  }
__scs_overlays_trampoline_lowered:
0x8: {  	[smem:$0x3FA2] =	sst s0  }
0x9: {  	[smem:$0x3FA3] =	sst s1  }
0xa: {  	[smem:$0x3FA4] =	sst s2  }
0xb: {  	[smem:$0x3FA5] =	sst s3  }
0xc: {  	[smem:$0x3FA6] =	sst s4  }
0xd: {  	[smem:$0x3FA7] =	sst s5  }
0xe: {  	[smem:$0x3FA8] =	sst s6  }
0xf: {  	[smem:$0x3FA9] =	sst s7  }
0x10: {  	[smem:$0x3FAA] =	sst s8  }
0x11: {  	[smem:$0x3FAB] =	sst s9;
	s0 =	simm.s32 @!p0 $0x0  }
0x12: {  	s1 =	sld [smem:$0x3F91];
	s0 =	simm.s32 @p0 $0x1  }
0x13: {  	[smem:$0x3FAC] =	sst s0;
	s0 =	simm.s32 @!p1 $0x0  }
0x14: {  	s2 =	sld [smem:$0x3F90];
	s0 =	simm.s32 @p1 $0x1  }
0x15: {  	[smem:$0x3FAD] =	sst s0;
	s0 =	simm.s32 @!p2 $0x0  }
0x16: {  	s3 =	sld [smem:$0x3FDB];
	s0 =	simm.s32 @p2 $0x1  }
0x17: {  	s4 =	simm.s32 $0x1BF5;
	[smem:$0x3FAF] =	sst s0  }
0x18: {  	s0 =	sld [smem:$0x3F92];
	_ =	swait.ge [sflag:s4], $0x0  }
0x19: {  	s7 =	sld [smem:$0x3F93]  }
0x1a: {  	s8 =	sadd.s32 $0xFFFFE003, lr  }
0x1b: {  	s9 =	sadd.s32 $0xFFFFFEF7, lr;
	s5 =	simm.s32 $0xFFFFFFFF;
	p2 =	slt.u32 s8, $0xFFFFF086  }
0x1c: {  	p1 =	slt.u32 s9, $0xF7A;
	s5 =	simm.s32 @!p2 $0x0  }
0x1d: {  	s5 =	simm.s32 @p1 $0x1;
	p0 =	seq.s32 s7, s2  }
0x1e: {  	s7 =	smul.u32 @!p0 $0xF7A, s2;
	p2 =	seq.s32 @!p0 s5, $0x0  }
0x1f: {  	s9 =	smul.u32 $0xF7A, s1;
	s8 =	simm.s32 @!p0 $0x1BF5;
	p2 =	por !p2, p0  }
0x20: {  	[sflag:s8] =	ssyncset.s32 @!p0 $0xFFFFF086;
	s6 =	sadd.s32 @!p0 s3, s7;
	s7 =	simm.s32 @!p0 $0x108  }
0x21: {  	s3 =	sadd.s32 s3, s9;
	s6 =	sadd.s32 @!p0 $0x88, s6;
	s7 =	simm.s32 @p2 $0x1082  }
0x22: {  	[simem:s7], [sflag:s8] =	dma.local @!p0 [hbm:s6], $0xF7A  }
0x23: {  	s9 =	sor.u32 $0xD0000000, s2;
	s6 =	simm.s32 $0x108;
	_ =	swait.ge @!p0 [sflag:s8], $0x0  }
0x24: {  	s3 =	sadd.s32 $0x88, s3;
	s6 =	simm.s32 @!p1 $0x1082;
	[sflag:s4] =	ssyncset.s32 $0xFFFFF086  }
0x25: {  	[simem:s6], [sflag:s4] =	dma.local [hbm:s3], $0xF7A  }
0x26: {  	[smem:$0x3F93] =	sst s1;
	(tag) =	ssettag s2;
	_ =	strace s9  }
0x27: {  	s1 =	sld [smem:$0x3FA3]  }
0x28: {  	s2 =	sld [smem:$0x3FA4]  }
0x29: {  	s4 =	sld [smem:$0x3FA6]  }
0x2a: {  	p0 =	seq.s32 s5, $0x0;
	s5 =	sld [smem:$0x3FA7]  }
0x2b: {  	s6 =	sld [smem:$0x3FA8]  }
0x2c: {  	s7 =	sld [smem:$0x3FA9]  }
0x2d: {  	s3 =	simm.s32 $0x108;
	s8 =	sld [smem:$0x3FAA]  }
0x2e: {  	s3 =	simm.s32 @!p0 $0x1082;
	s9 =	sld [smem:$0x3FAB]  }
0x2f: {  	lr =	sadd.s32 s0, s3;
	s0 =	sld [smem:$0x3FA2]  }
0x30: {  	s3 =	sld [smem:$0x3FA5]  }
0x31: {  	[smem:$0x3FAE] =	sst s10  }
0x32: {  	s10 =	sld [smem:$0x3FAC];
	_ =	sdelay $0x3  }
0x33: {  	p0 =	seq.s32 s10, $0x1;
	s10 =	sld [smem:$0x3FAE];
	_ =	sdelay $0x3  }
0x34: {  	[smem:$0x3FAE] =	sst s10  }
0x35: {  	s10 =	sld [smem:$0x3FAD];
	_ =	sdelay $0x3  }
0x36: {  	p1 =	seq.s32 s10, $0x1;
	s10 =	sld [smem:$0x3FAE];
	_ =	sdelay $0x3  }
0x37: {  	[smem:$0x3FAE] =	sst s10  }
0x38: {  	s10 =	sld [smem:$0x3FAF]  }
0x39: {  	_ = 	snop;
	(pc) =	sbr.ind lr, $3  }
0x3a: {  	_ = 	snop  }
0x3b: {  	_ = 	snop  }
0x3c: {  	p2 =	seq.s32 s10, $0x1;
	s10 =	sld [smem:$0x3FAE]  }
0x3d: {  	_ =	shalt  }
0x3e: {  	_ =	shalt  }
0x3f: {  	_ =	shalt  }
0x40: {  	_ =	shalt  }
0x41: {  	_ =	shalt  }
0x42: {  	_ =	shalt  }
0x43: {  	_ =	shalt  }
0x44: {  	_ =	shalt  }
0x45: {  	_ =	shalt  }
0x46: {  	_ =	shalt  }
0x47: {  	_ =	shalt  }
0x48: {  	_ =	shalt  }
0x49: {  	_ =	shalt  }
0x4a: {  	_ =	shalt  }
0x4b: {  	_ =	shalt  }
0x4c: {  	_ =	shalt  }
0x4d: {  	_ =	shalt  }
0x4e: {  	_ =	shalt  }
0x4f: {  	_ =	shalt  }
0x50: {  	_ =	shalt  }
0x51: {  	_ =	shalt  }
0x52: {  	_ =	shalt  }
0x53: {  	_ =	shalt  }
0x54: {  	_ =	shalt  }
0x55: {  	_ =	shalt  }
0x56: {  	_ =	shalt  }
0x57: {  	_ =	shalt  }
0x58: {  	_ =	shalt  }
0x59: {  	_ =	shalt  }
0x5a: {  	_ =	shalt  }
0x5b: {  	_ =	shalt  }
0x5c: {  	_ =	shalt  }
0x5d: {  	_ =	shalt  }
0x5e: {  	_ =	shalt  }
0x5f: {  	_ =	shalt  }
0x60: {  	_ =	shalt  }
0x61: {  	_ =	shalt  }
0x62: {  	_ =	shalt  }
0x63: {  	_ =	shalt  }
0x64: {  	_ =	shalt  }
0x65: {  	_ =	shalt  }
0x66: {  	_ =	shalt  }
0x67: {  	_ =	shalt  }
0x68: {  	_ =	shalt  }
0x69: {  	_ =	shalt  }
0x6a: {  	_ =	shalt  }
0x6b: {  	_ =	shalt  }
0x6c: {  	_ =	shalt  }
0x6d: {  	_ =	shalt  }
0x6e: {  	_ =	shalt  }
0x6f: {  	_ =	shalt  }
0x70: {  	_ =	shalt  }
0x71: {  	_ =	shalt  }
0x72: {  	_ =	shalt  }
0x73: {  	_ =	shalt  }
0x74: {  	_ =	shalt  }
0x75: {  	_ =	shalt  }
0x76: {  	_ =	shalt  }
0x77: {  	_ =	shalt  }
0x78: {  	_ =	shalt  }
0x79: {  	_ =	shalt  }
0x7a: {  	_ =	shalt  }
0x7b: {  	_ =	shalt  }
0x7c: {  	_ =	shalt  }
0x7d: {  	_ =	shalt  }
0x7e: {  	_ =	shalt  }
0x7f: {  	_ =	shalt  }
0x80: {  	_ =	shalt  }
0x81: {  	_ =	shalt  }
0x82: {  	_ =	shalt  }
0x83: {  	_ =	shalt  }
0x84: {  	_ =	shalt  }
0x85: {  	_ =	shalt  }
0x86: {  	_ =	shalt  }
0x87: {  	_ =	shalt  }
.Lfunc_end0:
.L_simem_size_0:
called_computation.3_lowered:
.L_overlay_start_0:
0x88: {  	s2 =	sld [smem:$0x3FD9]  }
0x89: {  	s3 =	sld [smem:$0x3FFE];
	_ =	sdelay $0x1  }
0x8a: {  	s1 =	srdreg.scid  }
0x8b: {  	s0 =	sand.u32 $0x1, s1  }
0x8c: {  	s17 =	sshll.u32 s0, $0xA;
	s2 =	sadd.s32 s3, s2  }
0x8d: {  	s2 =	sadd.s32 s2, s17  }
0x8e: {  	[smem:$0x3FBA] =	sst s2  }
0x8f: {  	_ = 	snop  }
0x90: {  	s18 =	sld [smem:$0x3FD0];
	(tm) =	ssettm $0x1  }
0x91: {  	s19 =	sld [smem:$0x3FFB];
	_ =	sdelay $0x3  }
0x92: {  	_ =	strace s19  }
0x93: {  	s2 =	sld [smem:$0x3FFC];
	_ =	sdelay $0x3  }
0x94: {  	_ =	strace s2  }
0x95: {  	s2 =	sld [smem:$0x3FFD];
	_ =	sdelay $0x3  }
0x96: {  	_ =	strace s2  }
0x97: {  	_ =	strace $0x8FFFFFFF  }
0x98: {  	s20 =	sld [smem:$0x3FDB];
	_ =	sdelay $0x1  }
0x99: {  	s4 =	simm.s32 $_scs_section_size  }
0x9a: {  	s5 =	simm.s32 $_size__tile_overlayer_lowered;
	s6 =	simm.s32 $_tile_overlayer_lowered  }
0x9b: {  	s7 =	simm.s32 $0x1BFF;
	s21 =	sshll.u32 s6, $0x1;
	s4 =	sadd.s32 s4, s20  }
0x9c: {  	s22 =	simm.s32 $0x0;
	s5 =	sshll.u32 s5, $0x1;
	s6 =	sadd.s32 s21, s4  }
0x9d: {  	[timem:s22], [sflag:s7] =	dma.local [hbm:s6], s5  }
0x9e: {  	_ =	swait.ge [sflag:s7], s5  }
0x9f: {  	s5 =	ssub.s32 $0x0, s5;
	[sflag:s7] =	ssyncset.done $0x0  }
0xa0: {  	[sflag:s7] =	ssyncadd.s32 s5;
	_ =	sdelay $0x1  }
0xa1: {  	s23 =	simm.s32 $0x1B8B  }
0xa2: {  	_ =	swait.ge [sflag:s23], $0x1  }
0xa3: {  	[sflag:s23] =	ssyncset.done $0x0  }
0xa4: {  	[sflag:s23] =	ssyncadd.s32 $0xFFFFFFFF  }
0xa5: {  	s5 =	sld [smem:$0x0]  }
0xa6: {  	s6 =	sand.u32 $0xFFFFFFFE, s1  }
0xa7: {  	p0 =	sne.s32 s1, s6  }
0xa8: {  	s6 =	sshll.u32 @p0 s6, $0xE  }
0xa9: {  	s6 =	sadd.s32 @p0 $0x11B8D, s6;
	s7 =	sshll.u32 @p0 s5, $0x11  }
0xaa: {  	s6 =	sor.u32 @p0 s7, s6  }
0xab: {  	[sflag:s6] =	ssyncadd.remote.s32 @p0 $0x1;
	_ =	sdelay $0x1  }
0xac: {  	s6 =	simm.s32 @p0 $0x1B8D  }
0xad: {  	_ =	swait.eq @p0 [sflag:s6], $0x1  }
0xae: {  	[sflag:s6] =	ssyncadd.s32 @p0 $0xFFFFFFFF  }
0xaf: {  	s7 =	sshll.u32 @!p0 s1, $0xE  }
0xb0: {  	s7 =	sor.u32 @!p0 $0x4000, s7;
	s6 =	simm.s32 @!p0 $0x1B8D  }
0xb1: {  	s5 =	sshll.u32 @!p0 s5, $0x11;
	s7 =	sadd.s32 @!p0 $0x11B8D, s7;
	_ =	swait.eq @!p0 [sflag:s6], $0x1  }
0xb2: {  	s5 =	sor.u32 @!p0 s5, s7;
	[sflag:s6] =	ssyncadd.s32 @!p0 $0xFFFFFFFF  }
0xb3: {  	s25 =	simm.s32 $0x1B8E;
	s24 =	sld [smem:$0x3FFE];
	[sflag:s5] =	ssyncadd.remote.s32 @!p0 $0x1  }
0xb4: {  	s26 =	simm.s32 $execute0_lowered;
	[smem:$0x3FD2] =	sst s25  }
0xb5: {  	s6 =	sshll.u32 s26, $0x1;
	_ =	strace $0x80000049;
	[dreg:$0x1] =	wrdreg $0xFFFFFFFF  }
0xb6: {  	s28 =	simm.s32 $_size_execute0_lowered;
	s4 =	sadd.s32 s4, s6;
	[dreg:$0x0] =	wrdreg $0x0  }
0xb7: {  	s6 =	sshll.u32 s28, $0x1;
	[dreg:$0x2] =	wrdreg s4  }
0xb8: {  	[dreg:$0x3] =	wrdreg s6  }
0xb9: {  	[dreg:$0x4] =	wrdreg $0xC0  }
0xba: {  	_ =	task [dreg:s22], $0x5FFFF  }
0xbb: {  	[dreg:$0x1] =	wrdreg $0xFFFFFFFF  }
0xbc: {  	[dreg:$0x0] =	wrdreg $0x60  }
0xbd: {  	[dreg:$0x2] =	wrdreg s24  }
0xbe: {  	[dreg:$0x3] =	wrdreg s18  }
0xbf: {  	[dreg:$0x4] =	wrdreg $0xC  }
0xc0: {  	_ =	task.clear_ibuf [dreg:s22], $0x5FFFF;
	_ =	strace $0x90000049  }
0xc1: {  	s29 =	simm.s32 $0xC;
	_ =	strace $0x8000004B  }
0xc2: {  	_ =	swait.ge [sflag:s29], $0x1  }
0xc3: {  	[sflag:s29] =	ssyncadd.s32 $0xFFFFFFFF  }
0xc4: {  	_ =	strace $0x9000004B  }
0xc5: {  	_ =	sfence  }
0xc6: {  	s30 =	sld [smem:$0x0];
	_ =	sdelay $0x2  }
0xc7: {  	s31 =	sshll.u32 s1, $0xD;
	s1 =	sshrl.u32 s1, $0x2  }
0xc8: {  	s4 =	sand.u32 $0x4000, s31;
	s1 =	sadd.s32 s1, s30  }
0xc9: {  	s0 =	sor.u32 s4, s0;
	s1 =	sshll.u32 s1, $0x11  }
0xca: {  	s0 =	sor.u32 s1, s0  }
0xcb: {  	s0 =	sadd.s32 $0x8F2B, s0  }
0xcc: {  	[sflag:s0] =	ssyncadd.remote.s32 $0x1  }
0xcd: {  	_ =	sfence.sel $0xFFFF  }
0xce: {  	[dreg:$0x0] =	wrdreg $0xFFFFFFFF;
	(pc) =	sbr.abs _section_cstart, $3  }
0xcf: {  	[dreg:$0x1] =	wrdreg $0xFFFFFFFF  }
0xd0: {  	_ =	task.clear_ibuf [dreg:s22], $0x2FFFF;
	_ =	strace $0x9FFFFFFF  }
0xd1: {  	(tm) =	ssettm $0x7FFFFFFF  }
tec
execute0_lowered:
.L_overlay_start_1:
0x0: {  	(tag) =	ssettag $0x1  }
0x1: {  	s1 =	srdreg.scid;
	s5 =	rddreg [dreg:$0x0]  }
0x2: {  	s0 =	stileid.u32;
	s2 =	rddreg [dreg:$0x1];
	s6 =	simm.s32 $0x1  }
0x3: {  	s9 =	simm.s32 $0x1;
	s10 =	simm.s32 $0x3;
	s1 =	sshll.u32 s1, $0x8  }
0x4: {  	s13 =	simm.s32 $0x0;
	s3 =	sshll.u32 s0, $0x9;
	s4 =	sand.u32 $0x100, s1  }
0x5: {  	s12 =	simm.s32 $0x0;
	s1 =	rddreg [dreg:$0x2];
	s3 =	sor.u32 s3, s4  }
0x6: {  	_ =	strace $0x8000004A;
	s4 =	sadd.s32 $0x5600, s5;
	s8 =	ssub.s32 $0x4000, s3  }
.Ltmp0:
0x7: {  	s5 =	sadd.s32 $0x24800, s5;
	s7 =	sand.u32 $0x1F00, s8;
	(pc) =	sbr.rel .LBB2_1-.Ltmp0, $4  }
0x8: {  	[sflag:s6] =	ssyncpa.u1 $0x0;
	s11 =	smov.u32 s3;
	p0 =	sne.s32 s7, $0x0  }
0x9: {  	s8 =	sshrl.u32 s8, $0xD;
	s7 =	simm.s32 $0x2;
	s9 =	simm.s32 @!p0 $0x0  }
0xa: {  	[sflag:s7] =	ssyncpa.u1 $0x0;
	p0 =	por $0x0, $0x0;
	s8 =	sadd.s32 s9, s8  }
0xb: {  	vm0 =	vmmov $0xffff;
	[sflag:s10] =	ssyncpa.u1 $0x0;
	s10 =	simm.s32 $0x0;
	s9 =	sadd.s32 $0x1, s8  }
.LBB2_4:
0xc: {  	v2 =	vnsel vm1, $0x0, v2  }
0xd: {  	vm1 =	vgt.s32 v0, $0x0;
	v2 =	vmin.u32 v2, $0xF423F  }
0xe: {  	v0 =	vnsel vm1, $0x0, v0  }
0xf: {  	v0 =	vmin.u32 v0, $0xF423F  }
0x10: {  	[tilespmem:s15], [sflag:$0x1] =	stream.indirect_vreg.gather [hbm4b:s4+s10], $0x1, v1, vm0, $0x4038;
	[tilespmem:$0x400] =	vst v63  }
0x11: {  	(ifvalue) =	ssetifvalue $0x7FFFFFFF  }
0x12: {  	[tilespmem:s16], [sflag:$0x1] =	stream.indirect_vreg.gather [hbm4b:s4+s10], $0x1, v2, vm0, $0x4038;
	[tilespmem:$0x400] =	vst v63  }
0x13: {  	s29 =	sadd.s32 $0x10, s16;
	(ifvalue) =	ssetifvalue $0x7FFFFFFF  }
0x14: {  	[tilespmem:s29], [sflag:$0x1] =	stream.indirect_vreg.gather [hbm4b:s4+s10], $0x1, v0, vm0, $0x4038;
	[tilespmem:$0x400] =	vst v63  }
0x15: {  	_ =	swait.ge [sflag:s6], $0x100  }
0x16: {  	s30 =	sshrl.u32 s13, $0x3;
	[sflag:s6] =	ssyncset.done $0x0  }
0x17: {  	s31 =	sand.u32 $0x7, s13;
	s15 =	sadd.s32 s5, s30;
	[sflag:s6] =	ssyncadd.s32 $0xFFFFFF00  }
0x18: {  	[hbm4b:s15+s31] =	stream.linear.scatter [tilespmem:s14], [sflag:$0x3], $0x100, $0x38;
	[tilespmem:$0x400] =	vst v63  }
.LBB2_5:
0x19: {  	s15 =	sadd.s32 $0x2000, s11  }
0x1a: {  	p2 =	sgt.s32 s15, $0x3FFF  }
0x1b: {  	s15 =	smov.u32 @p2 s3;
	p2 =	sne.s32 s12, s9  }
.Ltmp1:
0x1c: {  	p1 =	slt.u32 s12, $0x2;
	(pc) =	sbr.rel @!p2 .LBB2_6-.Ltmp1, $4  }
0x1d: {  	s14 =	simm.s32 @!p1 $0x3  }
0x1e: {  	s16 =	sadd.s32 $0x1, s12;
	_ =	swait.ge @!p1 [sflag:s14], $0x100  }
0x1f: {  	s13 =	smov.u32 s11;
	p0 =	por !p0, !p0;
	[sflag:s14] =	ssyncset.done @!p1 $0x0  }
0x20: {  	s12 =	smov.u32 s16;
	s11 =	smov.u32 s15;
	[sflag:s14] =	ssyncadd.s32 @!p1 $0xFFFFFF00  }
.LBB2_1:
0x21: {  	p1 =	sge.u32 s12, s8  }
0x22: {  	s14 =	sxor.u32 @!p1 $0xFFFFFFFF, s12  }
0x23: {  	s31 =	sadd.s32 $0xFFFFFFFF, s12;
	s15 =	sshrl.u32 @!p1 s11, $0x3;
	s14 =	sshll.u32 @!p1 s14, $0x8  }
0x24: {  	s16 =	sand.u32 @!p1 $0x7, s11;
	s15 =	sadd.s32 @!p1 s2, s15;
	s14 =	sand.u32 @!p1 $0x100, s14  }
0x25: {  	[tilespmem:s14], [sflag:$0x2] =	stream.linear.gather @!p1 [hbm4b:s15+s16], $0x100, $0x38;
	[tilespmem:$0x400] =	vst v63  }
0x26: {  	p1 =	sge.u32 s31, s8  }
.Ltmp2:
0x27: {  	_ = 	snop;
	(pc) =	sbr.rel @p1 .LBB2_5-.Ltmp2, $1  }
0x28: {  	_ =	sdelay $0x3  }
0x29: {  	s14 =	simm.s32 $0x1  }
0x2a: {  	_ =	swait.ge [sflag:s7], $0x100;
	s14 =	simm.s32 @!p0 $0x0  }
0x2b: {  	[sflag:s7] =	ssyncset.done $0x0;
	s14 =	sshll.u32 s14, $0x8  }
0x2c: {  	[sflag:s7] =	ssyncadd.s32 $0xFFFFFF00;
	(ifvalue) =	ssetifvalue $0x7FFFFFFF;
	v0 =	vld.msk [tilespmem:s14+$0x0 ss:$0x1], $0xffff;
	_ =	sdelay $0x4  }
0x2d: {  	s15 =	sadd.s32 $0x10, s14;
	vm1 =	vgt.s32 v0, $0x0  }
0x2e: {  	v2 =	vld.msk [tilespmem:s15+$0x0 ss:$0x1], $0xffff;
	v1 =	vnsel vm1, $0x0, v0  }
0x2f: {  	v1 =	vmin.u32 v1, $0xF423F;
	_ =	sdelay $0x1  }
0x30: {  	s16 =	sshll.u32 s12, $0x8;
	s18 =	simm.s32 $0x20  }
0x31: {  	s16 =	sand.u32 $0x100, s16;
	s17 =	sadd.s32 $0x10, s15;
	s15 =	sor.u32 $0x200, s14  }
0x32: {  	s14 =	sor.u32 $0x200, s16;
	s16 =	sadd.s32 $0x10, s15;
	v0 =	vld.msk [tilespmem:s17+$0x0 ss:$0x1], $0xffff;
	vm1 =	vgt.s32 v2, $0x0;
	(ifvalue) =	ssetifvalue $0x7FFFFFFF  }
.LBB2_3:
0x33: {  	[tilespmem:s15], [sflag:$0x1] =	stream.indirect_vreg.gather [hbm4b:s4+s10], $0x1, v1, vm0, $0x4038;
	[tilespmem:$0x400] =	vst v63  }
0x34: {  	s18 =	sadd.s32 $0x10, s18  }
0x35: {  	v2 =	vnsel vm1, $0x0, v2;
	p1 =	slt.u32 s18, $0xF0  }
.Ltmp3:
0x36: {  	s15 =	smov.u32 s16;
	v1 =	vmin.u32 v2, $0xF423F;
	(pc) =	sbr.rel @p1 .LBB2_3-.Ltmp3, $3  }
0x37: {  	_ =	sdelay $0x1  }
0x38: {  	s17 =	sadd.s32 $0x10, s17  }
0x39: {  	vm1 =	vgt.s32 v0, $0x0;
	s16 =	sadd.s32 $0x10, s16;
	v2 =	vmov v0;
	(ifvalue) =	ssetifvalue $0x7FFFFFFF;
	v0 =	vld.msk [tilespmem:s17+$0x0 ss:$0x1], $0xffff  }
.Ltmp4:
0x3a: {  	_ = 	snop;
	(pc) =	sbr.rel .LBB2_4-.Ltmp4, $1  }
0x3b: {  	_ =	sdelay $0x3  }
.LBB2_6:
0x3c: {  	_ =	sfence.sel $0x180000  }
0x3d: {  	s2 =	simm.s32 $0x2;
	[bflag:$0x0] =	sbarrier.arrive $0xFFFF  }
0x3e: {  	s30 =	simm.s32 $0x3;
	[sflag:s2] =	ssyncpa.u1 $0x1  }
0x3f: {  	s31 =	simm.s32 $0x1;
	[sflag:s30] =	ssyncpa.u1 $0x1  }
0x40: {  	[sflag:s31] =	ssyncpa.u1 $0x1  }
0x41: {  	p0 =	sne.s32 s0, $0x0;
	_ =	strace $0x9000004A  }
0x42: {  	s0 =	sadd.s32 @!p0 $0x100000, s1;
	[bflag:$0x2] =	sbarrier.arrive $0xFFFF  }
0x43: {  	[sflag:s0] =	ssyncadd.tile.s32 @!p0 $0x1;
	_ =	shalt  }
.Lfunc_end2:
_tile_overlayer_lowered:
.L_overlay_start_2:
0x44: {  	(tag) =	ssettag $0x2  }
0x45: {  	s0 =	rddreg [dreg:$0x0];
	s2 =	stileid.u32  }
0x46: {  	s1 =	rddreg [dreg:$0x1];
	p0 =	sne.s32 s2, $0x0  }
0x47: {  	s3 =	rddreg [dreg:$0x2];
	[bflag:$0x3] =	sbarrier.arrive $0xFFFF;
	s2 =	simm.s32 @!p0 $0x1C01  }
0x48: {  	[timem:s3], [sflag:s2] =	dma.local @!p0 [hbm:s0], s1  }
0x49: {  	s0 =	simm.s32 @!p0 $0x1  }
0x4a: {  	_ =	swait.ge @!p0 [sflag:s0], s1  }
0x4b: {  	s1 =	ssub.s32 @!p0 $0x0, s1;
	[sflag:s0] =	ssyncset.done @!p0 $0x0  }
0x4c: {  	[sflag:s0] =	ssyncadd.s32 @!p0 s1  }
0x4d: {  	[bflag:$0x3] =	sbarrier.arrive $0xFFFF  }
0x4e: {  	_ =	shalt  }

// kernel: gather_offload_async_start
scs
__scs_entry_jumppad:
0x0: {  	(pc) =	sbr.rel $0x88, $3  }
0x1: {  	(tag) =	ssettag $0x0;
	lr =	simm.s32 $0x1  }
0x2: {  	[smem:$0x3F93] =	sst lr;
	_ =	strace $0xD0000000  }
0x3: {  	_ = 	snop  }
0x4: {  	_ = 	snop  }
0x5: {  	_ = 	snop  }
0x6: {  	_ = 	snop  }
0x7: {  	_ = 	snop  }
__scs_overlays_trampoline_lowered:
0x8: {  	[smem:$0x3FA2] =	sst s0  }
0x9: {  	[smem:$0x3FA3] =	sst s1  }
0xa: {  	[smem:$0x3FA4] =	sst s2  }
0xb: {  	[smem:$0x3FA5] =	sst s3  }
0xc: {  	[smem:$0x3FA6] =	sst s4  }
0xd: {  	[smem:$0x3FA7] =	sst s5  }
0xe: {  	[smem:$0x3FA8] =	sst s6  }
0xf: {  	[smem:$0x3FA9] =	sst s7  }
0x10: {  	[smem:$0x3FAA] =	sst s8  }
0x11: {  	[smem:$0x3FAB] =	sst s9;
	s0 =	simm.s32 @!p0 $0x0  }
0x12: {  	s1 =	sld [smem:$0x3F91];
	s0 =	simm.s32 @p0 $0x1  }
0x13: {  	[smem:$0x3FAC] =	sst s0;
	s0 =	simm.s32 @!p1 $0x0  }
0x14: {  	s2 =	sld [smem:$0x3F90];
	s0 =	simm.s32 @p1 $0x1  }
0x15: {  	[smem:$0x3FAD] =	sst s0;
	s0 =	simm.s32 @!p2 $0x0  }
0x16: {  	s3 =	sld [smem:$0x3FDB];
	s0 =	simm.s32 @p2 $0x1  }
0x17: {  	s4 =	simm.s32 $0x1BF5;
	[smem:$0x3FAF] =	sst s0  }
0x18: {  	s0 =	sld [smem:$0x3F92];
	_ =	swait.ge [sflag:s4], $0x0  }
0x19: {  	s7 =	sld [smem:$0x3F93]  }
0x1a: {  	s8 =	sadd.s32 $0xFFFFE003, lr  }
0x1b: {  	s9 =	sadd.s32 $0xFFFFFEF7, lr;
	s5 =	simm.s32 $0xFFFFFFFF;
	p2 =	slt.u32 s8, $0xFFFFF086  }
0x1c: {  	p1 =	slt.u32 s9, $0xF7A;
	s5 =	simm.s32 @!p2 $0x0  }
0x1d: {  	s5 =	simm.s32 @p1 $0x1;
	p0 =	seq.s32 s7, s2  }
0x1e: {  	s7 =	smul.u32 @!p0 $0xF7A, s2;
	p2 =	seq.s32 @!p0 s5, $0x0  }
0x1f: {  	s9 =	smul.u32 $0xF7A, s1;
	s8 =	simm.s32 @!p0 $0x1BF5;
	p2 =	por !p2, p0  }
0x20: {  	[sflag:s8] =	ssyncset.s32 @!p0 $0xFFFFF086;
	s6 =	sadd.s32 @!p0 s3, s7;
	s7 =	simm.s32 @!p0 $0x108  }
0x21: {  	s3 =	sadd.s32 s3, s9;
	s6 =	sadd.s32 @!p0 $0x88, s6;
	s7 =	simm.s32 @p2 $0x1082  }
0x22: {  	[simem:s7], [sflag:s8] =	dma.local @!p0 [hbm:s6], $0xF7A  }
0x23: {  	s9 =	sor.u32 $0xD0000000, s2;
	s6 =	simm.s32 $0x108;
	_ =	swait.ge @!p0 [sflag:s8], $0x0  }
0x24: {  	s3 =	sadd.s32 $0x88, s3;
	s6 =	simm.s32 @!p1 $0x1082;
	[sflag:s4] =	ssyncset.s32 $0xFFFFF086  }
0x25: {  	[simem:s6], [sflag:s4] =	dma.local [hbm:s3], $0xF7A  }
0x26: {  	[smem:$0x3F93] =	sst s1;
	(tag) =	ssettag s2;
	_ =	strace s9  }
0x27: {  	s1 =	sld [smem:$0x3FA3]  }
0x28: {  	s2 =	sld [smem:$0x3FA4]  }
0x29: {  	s4 =	sld [smem:$0x3FA6]  }
0x2a: {  	p0 =	seq.s32 s5, $0x0;
	s5 =	sld [smem:$0x3FA7]  }
0x2b: {  	s6 =	sld [smem:$0x3FA8]  }
0x2c: {  	s7 =	sld [smem:$0x3FA9]  }
0x2d: {  	s3 =	simm.s32 $0x108;
	s8 =	sld [smem:$0x3FAA]  }
0x2e: {  	s3 =	simm.s32 @!p0 $0x1082;
	s9 =	sld [smem:$0x3FAB]  }
0x2f: {  	lr =	sadd.s32 s0, s3;
	s0 =	sld [smem:$0x3FA2]  }
0x30: {  	s3 =	sld [smem:$0x3FA5]  }
0x31: {  	[smem:$0x3FAE] =	sst s10  }
0x32: {  	s10 =	sld [smem:$0x3FAC];
	_ =	sdelay $0x3  }
0x33: {  	p0 =	seq.s32 s10, $0x1;
	s10 =	sld [smem:$0x3FAE];
	_ =	sdelay $0x3  }
0x34: {  	[smem:$0x3FAE] =	sst s10  }
0x35: {  	s10 =	sld [smem:$0x3FAD];
	_ =	sdelay $0x3  }
0x36: {  	p1 =	seq.s32 s10, $0x1;
	s10 =	sld [smem:$0x3FAE];
	_ =	sdelay $0x3  }
0x37: {  	[smem:$0x3FAE] =	sst s10  }
0x38: {  	s10 =	sld [smem:$0x3FAF]  }
0x39: {  	_ = 	snop;
	(pc) =	sbr.ind lr, $3  }
0x3a: {  	_ = 	snop  }
0x3b: {  	_ = 	snop  }
0x3c: {  	p2 =	seq.s32 s10, $0x1;
	s10 =	sld [smem:$0x3FAE]  }
0x3d: {  	_ =	shalt  }
0x3e: {  	_ =	shalt  }
0x3f: {  	_ =	shalt  }
0x40: {  	_ =	shalt  }
0x41: {  	_ =	shalt  }
0x42: {  	_ =	shalt  }
0x43: {  	_ =	shalt  }
0x44: {  	_ =	shalt  }
0x45: {  	_ =	shalt  }
0x46: {  	_ =	shalt  }
0x47: {  	_ =	shalt  }
0x48: {  	_ =	shalt  }
0x49: {  	_ =	shalt  }
0x4a: {  	_ =	shalt  }
0x4b: {  	_ =	shalt  }
0x4c: {  	_ =	shalt  }
0x4d: {  	_ =	shalt  }
0x4e: {  	_ =	shalt  }
0x4f: {  	_ =	shalt  }
0x50: {  	_ =	shalt  }
0x51: {  	_ =	shalt  }
0x52: {  	_ =	shalt  }
0x53: {  	_ =	shalt  }
0x54: {  	_ =	shalt  }
0x55: {  	_ =	shalt  }
0x56: {  	_ =	shalt  }
0x57: {  	_ =	shalt  }
0x58: {  	_ =	shalt  }
0x59: {  	_ =	shalt  }
0x5a: {  	_ =	shalt  }
0x5b: {  	_ =	shalt  }
0x5c: {  	_ =	shalt  }
0x5d: {  	_ =	shalt  }
0x5e: {  	_ =	shalt  }
0x5f: {  	_ =	shalt  }
0x60: {  	_ =	shalt  }
0x61: {  	_ =	shalt  }
0x62: {  	_ =	shalt  }
0x63: {  	_ =	shalt  }
0x64: {  	_ =	shalt  }
0x65: {  	_ =	shalt  }
0x66: {  	_ =	shalt  }
0x67: {  	_ =	shalt  }
0x68: {  	_ =	shalt  }
0x69: {  	_ =	shalt  }
0x6a: {  	_ =	shalt  }
0x6b: {  	_ =	shalt  }
0x6c: {  	_ =	shalt  }
0x6d: {  	_ =	shalt  }
0x6e: {  	_ =	shalt  }
0x6f: {  	_ =	shalt  }
0x70: {  	_ =	shalt  }
0x71: {  	_ =	shalt  }
0x72: {  	_ =	shalt  }
0x73: {  	_ =	shalt  }
0x74: {  	_ =	shalt  }
0x75: {  	_ =	shalt  }
0x76: {  	_ =	shalt  }
0x77: {  	_ =	shalt  }
0x78: {  	_ =	shalt  }
0x79: {  	_ =	shalt  }
0x7a: {  	_ =	shalt  }
0x7b: {  	_ =	shalt  }
0x7c: {  	_ =	shalt  }
0x7d: {  	_ =	shalt  }
0x7e: {  	_ =	shalt  }
0x7f: {  	_ =	shalt  }
0x80: {  	_ =	shalt  }
0x81: {  	_ =	shalt  }
0x82: {  	_ =	shalt  }
0x83: {  	_ =	shalt  }
0x84: {  	_ =	shalt  }
0x85: {  	_ =	shalt  }
0x86: {  	_ =	shalt  }
0x87: {  	_ =	shalt  }
.Lfunc_end0:
.L_simem_size_0:
called_computation_lowered:
.L_overlay_start_0:
0x88: {  	s2 =	sld [smem:$0x3FD9]  }
0x89: {  	s3 =	sld [smem:$0x3FFE];
	_ =	sdelay $0x1  }
0x8a: {  	s1 =	srdreg.scid  }
0x8b: {  	s0 =	sand.u32 $0x1, s1  }
0x8c: {  	s17 =	sshll.u32 s0, $0xA;
	s2 =	sadd.s32 s3, s2  }
0x8d: {  	s2 =	sadd.s32 s2, s17  }
0x8e: {  	[smem:$0x3FBA] =	sst s2  }
0x8f: {  	_ = 	snop  }
0x90: {  	s18 =	sld [smem:$0x3FC4];
	(tm) =	ssettm $0x1  }
0x91: {  	s19 =	sld [smem:$0x3FFB];
	_ =	sdelay $0x3  }
0x92: {  	_ =	strace s19  }
0x93: {  	s2 =	sld [smem:$0x3FFC];
	_ =	sdelay $0x3  }
0x94: {  	_ =	strace s2  }
0x95: {  	s2 =	sld [smem:$0x3FFD];
	_ =	sdelay $0x3  }
0x96: {  	_ =	strace s2  }
0x97: {  	_ =	strace $0x8FFFFFFF  }
0x98: {  	s20 =	sld [smem:$0x3FDB];
	_ =	sdelay $0x1  }
0x99: {  	s4 =	simm.s32 $_scs_section_size  }
0x9a: {  	s5 =	simm.s32 $_size__tile_overlayer_lowered;
	s6 =	simm.s32 $_tile_overlayer_lowered  }
0x9b: {  	s7 =	simm.s32 $0x1BFF;
	s21 =	sshll.u32 s6, $0x1;
	s4 =	sadd.s32 s4, s20  }
0x9c: {  	s22 =	simm.s32 $0x0;
	s5 =	sshll.u32 s5, $0x1;
	s6 =	sadd.s32 s21, s4  }
0x9d: {  	[timem:s22], [sflag:s7] =	dma.local [hbm:s6], s5  }
0x9e: {  	_ =	swait.ge [sflag:s7], s5  }
0x9f: {  	s5 =	ssub.s32 $0x0, s5;
	[sflag:s7] =	ssyncset.done $0x0  }
0xa0: {  	[sflag:s7] =	ssyncadd.s32 s5;
	_ =	sdelay $0x1  }
0xa1: {  	s23 =	simm.s32 $0x1B8B  }
0xa2: {  	_ =	swait.ge [sflag:s23], $0x1  }
0xa3: {  	[sflag:s23] =	ssyncset.done $0x0  }
0xa4: {  	[sflag:s23] =	ssyncadd.s32 $0xFFFFFFFF  }
0xa5: {  	s5 =	sld [smem:$0x0]  }
0xa6: {  	s6 =	sand.u32 $0xFFFFFFFE, s1  }
0xa7: {  	p0 =	sne.s32 s1, s6  }
0xa8: {  	s6 =	sshll.u32 @p0 s6, $0xE  }
0xa9: {  	s6 =	sadd.s32 @p0 $0x11B8D, s6;
	s7 =	sshll.u32 @p0 s5, $0x11  }
0xaa: {  	s6 =	sor.u32 @p0 s7, s6  }
0xab: {  	[sflag:s6] =	ssyncadd.remote.s32 @p0 $0x1;
	_ =	sdelay $0x1  }
0xac: {  	s6 =	simm.s32 @p0 $0x1B8D  }
0xad: {  	_ =	swait.eq @p0 [sflag:s6], $0x1  }
0xae: {  	[sflag:s6] =	ssyncadd.s32 @p0 $0xFFFFFFFF  }
0xaf: {  	s7 =	sshll.u32 @!p0 s1, $0xE  }
0xb0: {  	s7 =	sor.u32 @!p0 $0x4000, s7;
	s6 =	simm.s32 @!p0 $0x1B8D  }
0xb1: {  	s5 =	sshll.u32 @!p0 s5, $0x11;
	s7 =	sadd.s32 @!p0 $0x11B8D, s7;
	_ =	swait.eq @!p0 [sflag:s6], $0x1  }
0xb2: {  	s5 =	sor.u32 @!p0 s5, s7;
	[sflag:s6] =	ssyncadd.s32 @!p0 $0xFFFFFFFF  }
0xb3: {  	s25 =	simm.s32 $0x1B8E;
	s24 =	sld [smem:$0x3FFE];
	[sflag:s5] =	ssyncadd.remote.s32 @!p0 $0x1  }
0xb4: {  	s26 =	simm.s32 $execute0_lowered;
	[smem:$0x3FD2] =	sst s25  }
0xb5: {  	s6 =	sshll.u32 s26, $0x1;
	_ =	strace $0x8000004C;
	[dreg:$0x1] =	wrdreg $0xFFFFFFFF  }
0xb6: {  	s28 =	simm.s32 $_size_execute0_lowered;
	s4 =	sadd.s32 s4, s6;
	[dreg:$0x0] =	wrdreg $0x0  }
0xb7: {  	s6 =	sshll.u32 s28, $0x1;
	[dreg:$0x2] =	wrdreg s4  }
0xb8: {  	[dreg:$0x3] =	wrdreg s6  }
0xb9: {  	[dreg:$0x4] =	wrdreg $0xC0  }
0xba: {  	_ =	task [dreg:s22], $0x5FFFF  }
0xbb: {  	[dreg:$0x1] =	wrdreg $0xFFFFFFFF  }
0xbc: {  	[dreg:$0x0] =	wrdreg $0x60  }
0xbd: {  	[dreg:$0x2] =	wrdreg s18  }
0xbe: {  	[dreg:$0x3] =	wrdreg s24  }
0xbf: {  	[dreg:$0x4] =	wrdreg $0x9  }
0xc0: {  	_ =	task.clear_ibuf [dreg:s22], $0x5FFFF;
	_ =	strace $0x9000004C  }
0xc1: {  	s29 =	simm.s32 $0x9;
	_ =	strace $0x8000004E  }
0xc2: {  	_ =	swait.ge [sflag:s29], $0x1  }
0xc3: {  	[sflag:s29] =	ssyncadd.s32 $0xFFFFFFFF  }
0xc4: {  	_ =	strace $0x9000004E  }
0xc5: {  	_ =	sfence  }
0xc6: {  	s30 =	sld [smem:$0x0];
	_ =	sdelay $0x2  }
0xc7: {  	s31 =	sshll.u32 s1, $0xD;
	s1 =	sshrl.u32 s1, $0x2  }
0xc8: {  	s4 =	sand.u32 $0x4000, s31;
	s1 =	sadd.s32 s1, s30  }
0xc9: {  	s0 =	sor.u32 s4, s0;
	s1 =	sshll.u32 s1, $0x11  }
0xca: {  	s0 =	sor.u32 s1, s0  }
0xcb: {  	s0 =	sadd.s32 $0x8F2B, s0  }
0xcc: {  	[sflag:s0] =	ssyncadd.remote.s32 $0x1  }
0xcd: {  	_ =	sfence.sel $0xFFFF  }
0xce: {  	[dreg:$0x0] =	wrdreg $0xFFFFFFFF;
	(pc) =	sbr.abs _section_cstart, $3  }
0xcf: {  	[dreg:$0x1] =	wrdreg $0xFFFFFFFF  }
0xd0: {  	_ =	task.clear_ibuf [dreg:s22], $0x2FFFF;
	_ =	strace $0x9FFFFFFF  }
0xd1: {  	(tm) =	ssettm $0x7FFFFFFF  }
tec
execute0_lowered:
.L_overlay_start_1:
0x0: {  	(tag) =	ssettag $0x1  }
0x1: {  	s1 =	srdreg.scid;
	s2 =	rddreg [dreg:$0x0]  }
0x2: {  	s0 =	stileid.u32;
	s10 =	rddreg [dreg:$0x1];
	s5 =	simm.s32 $0x2  }
0x3: {  	s11 =	simm.s32 $0x3;
	s12 =	simm.s32 $0x0;
	s1 =	sshll.u32 s1, $0x9  }
0x4: {  	s14 =	simm.s32 $0x0;
	s3 =	sshll.u32 s0, $0xA;
	s1 =	sand.u32 $0x200, s1  }
0x5: {  	s13 =	simm.s32 $0x0;
	s6 =	sadd.s32 $0x25000, s10;
	s3 =	sor.u32 s3, s1  }
0x6: {  	s1 =	rddreg [dreg:$0x2];
	_ =	strace $0x8000004D;
	s4 =	sshrl.u32 s3, $0x3  }
0x7: {  	s7 =	ssub.s32 $0x4000, s3;
	s8 =	sadd.s32 s4, s10;
	s4 =	simm.s32 $0x1  }
.Ltmp0:
0x8: {  	s9 =	sand.u32 $0x3E00, s7;
	s7 =	sshrl.u32 s7, $0xE;
	(pc) =	sbr.rel .LBB2_1-.Ltmp0, $4  }
0x9: {  	[sflag:s4] =	ssyncpa.u1 $0x0;
	p0 =	sne.s32 s9, $0x0;
	s9 =	simm.s32 $0x1  }
0xa: {  	s8 =	sadd.s32 $0x4E00, s8;
	[sflag:s5] =	ssyncpa.u1 $0x0;
	s9 =	simm.s32 @!p0 $0x0  }
0xb: {  	p0 =	por $0x0, $0x0;
	[sflag:s11] =	ssyncpa.u1 $0x0;
	s7 =	sadd.s32 s9, s7  }
0xc: {  	vm0 =	vmmov $0xffff;
	s9 =	sadd.s32 $0x29000, s10;
	s10 =	sadd.s32 $0x2D000, s10;
	s11 =	sadd.s32 $0x1, s7  }
.LBB2_4:
0xd: {  	_ =	sdelay $0x3  }
0xe: {  	[tilespmem:s20], [sflag:$0x1] =	stream.indirect_vreg.gather [hbm4b:s2+s12], $0x1, v0, vm0, $0x4038;
	[tilespmem:$0x6400] =	vst v63  }
0xf: {  	s17 =	sshll.u32 s14, $0x3  }
0x10: {  	s26 =	sand.u32 $0x78, s14;
	s17 =	sand.u32 $0x7FFFFC00, s17  }
0x11: {  	_ =	swait.ge [sflag:s4], $0x3000;
	s14 =	sor.u32 s26, s17  }
0x12: {  	[sflag:s4] =	ssyncset.done $0x0;
	s14 =	sshrl.u32 s14, $0x3  }
0x13: {  	[sflag:s4] =	ssyncadd.s32 $0xFFFFD000;
	s28 =	sadd.s32 s6, s14  }
0x14: {  	[hbm:s28] =	stream.linear.scatter [tilespmem:s16], [sflag:$0x3], $0x1000, $0x38;
	[tilespmem:$0x6400] =	vst v63  }
0x15: {  	s29 =	sadd.s32 $0x1400, s15;
	s30 =	sadd.s32 s14, s9  }
0x16: {  	[hbm:s30] =	stream.linear.scatter [tilespmem:s29], [sflag:$0x3], $0x1000, $0x38;
	[tilespmem:$0x6400] =	vst v63  }
0x17: {  	s31 =	sadd.s32 $0x2400, s15;
	s14 =	sadd.s32 s14, s10  }
0x18: {  	[hbm:s14] =	stream.linear.scatter [tilespmem:s31], [sflag:$0x3], $0x1000, $0x38;
	[tilespmem:$0x6400] =	vst v63  }
.LBB2_5:
0x19: {  	p2 =	sne.s32 s13, s11  }
.Ltmp1:
0x1a: {  	p1 =	slt.u32 s13, $0x2;
	(pc) =	sbr.rel @!p2 .LBB2_6-.Ltmp1, $4  }
0x1b: {  	s14 =	simm.s32 @!p1 $0x3  }
0x1c: {  	_ =	swait.ge @!p1 [sflag:s14], $0x3000  }
0x1d: {  	s15 =	sadd.s32 $0x1, s13;
	p0 =	por !p0, !p0;
	[sflag:s14] =	ssyncset.done @!p1 $0x0  }
0x1e: {  	s13 =	smov.u32 s15;
	[sflag:s14] =	ssyncadd.s32 @!p1 $0xFFFFD000;
	s14 =	smov.u32 s3  }
.LBB2_1:
0x1f: {  	p1 =	sge.u32 s13, s7  }
0x20: {  	s15 =	sxor.u32 @!p1 $0xFFFFFFFF, s13  }
0x21: {  	s15 =	sshll.u32 @!p1 s15, $0x9  }
0x22: {  	s31 =	sadd.s32 $0xFFFFFFFF, s13;
	s16 =	simm.s32 @!p1 $0x0;
	s15 =	sand.u32 @!p1 $0x200, s15  }
0x23: {  	[tilespmem:s15], [sflag:$0x2] =	stream.linear.gather @!p1 [hbm4b:s8+s16], $0x200, $0x38;
	[tilespmem:$0x6400] =	vst v63  }
0x24: {  	p1 =	sge.u32 s31, s7  }
.Ltmp2:
0x25: {  	_ = 	snop;
	(pc) =	sbr.rel @p1 .LBB2_5-.Ltmp2, $1  }
0x26: {  	_ =	sdelay $0x3  }
0x27: {  	s15 =	simm.s32 $0x1;
	_ =	swait.ge [sflag:s5], $0x200  }
0x28: {  	s15 =	simm.s32 @!p0 $0x0;
	[sflag:s5] =	ssyncset.done $0x0  }
0x29: {  	s18 =	sshll.u32 s15, $0x9;
	[sflag:s5] =	ssyncadd.s32 $0xFFFFFE00  }
0x2a: {  	v0 =	vld.msk [tilespmem:s18+$0x0 ss:$0x1], $0xffff;
	_ =	sdelay $0x4  }
0x2b: {  	vm1 =	vgt.s32 v0, $0x0  }
0x2c: {  	v0 =	vnsel vm1, $0x0, v0  }
0x2d: {  	v0 =	vmin.u32 v0, $0xF423F  }
0x2e: {  	s21 =	sand.u32 $0x1, s13;
	v1 =	vshll.u32 v0, $0x3  }
0x2f: {  	s15 =	smul.u32 $0xC000, s21;
	v0 =	vand.u32 $0x7F, v0;
	v1 =	vand.u32 $0x7FFC00, v1  }
0x30: {  	v0 =	vor.u32 v0, v1  }
0x31: {  	s17 =	simm.s32 $0x0;
	s15 =	sshrl.u32 s15, $0x2  }
0x32: {  	s19 =	sand.u32 $0xC00, s17;
	s16 =	sor.u32 $0x400, s15  }
0x33: {  	s20 =	sand.u32 $0x70, s17;
	(ifvalue) =	ssetifvalue $0x7FFFFFFF;
	s19 =	sadd.s32 s19, s16;
	v1 =	vor.u32 $0x80, v0  }
0x34: {  	(ifvalue) =	ssetifvalue $0x7FFFFFFF;
	s19 =	sadd.s32 s20, s19  }
0x35: {  	[tilespmem:s19], [sflag:$0x1] =	stream.indirect_vreg.gather [hbm4b:s2+s12], $0x1, v0, vm0, $0x4038;
	[tilespmem:$0x6400] =	vst v63  }
0x36: {  	v2 =	vor.u32 $0x100, v0;
	(ifvalue) =	ssetifvalue $0x7FFFFFFF  }
0x37: {  	s20 =	sadd.s32 $0x80, s19;
	(ifvalue) =	ssetifvalue $0x7FFFFFFF  }
0x38: {  	[tilespmem:s20], [sflag:$0x1] =	stream.indirect_vreg.gather [hbm4b:s2+s12], $0x1, v1, vm0, $0x4038;
	[tilespmem:$0x6400] =	vst v63  }
0x39: {  	v1 =	vor.u32 $0x180, v0;
	(ifvalue) =	ssetifvalue $0x7FFFFFFF  }
0x3a: {  	s22 =	sadd.s32 $0x100, s19;
	(ifvalue) =	ssetifvalue $0x7FFFFFFF  }
0x3b: {  	[tilespmem:s22], [sflag:$0x1] =	stream.indirect_vreg.gather [hbm4b:s2+s12], $0x1, v2, vm0, $0x4038;
	[tilespmem:$0x6400] =	vst v63  }
0x3c: {  	v2 =	vor.u32 $0x200, v0;
	(ifvalue) =	ssetifvalue $0x7FFFFFFF  }
0x3d: {  	s23 =	sadd.s32 $0x180, s19;
	(ifvalue) =	ssetifvalue $0x7FFFFFFF  }
0x3e: {  	[tilespmem:s23], [sflag:$0x1] =	stream.indirect_vreg.gather [hbm4b:s2+s12], $0x1, v1, vm0, $0x4038;
	[tilespmem:$0x6400] =	vst v63  }
0x3f: {  	(ifvalue) =	ssetifvalue $0x7FFFFFFF;
	v1 =	vor.u32 $0x280, v0  }
0x40: {  	s24 =	sadd.s32 $0x200, s19;
	(ifvalue) =	ssetifvalue $0x7FFFFFFF  }
0x41: {  	[tilespmem:s24], [sflag:$0x1] =	stream.indirect_vreg.gather [hbm4b:s2+s12], $0x1, v2, vm0, $0x4038;
	[tilespmem:$0x6400] =	vst v63  }
0x42: {  	(ifvalue) =	ssetifvalue $0x7FFFFFFF;
	v2 =	vor.u32 $0x300, v0  }
0x43: {  	s25 =	sadd.s32 $0x280, s19;
	(ifvalue) =	ssetifvalue $0x7FFFFFFF  }
0x44: {  	[tilespmem:s25], [sflag:$0x1] =	stream.indirect_vreg.gather [hbm4b:s2+s12], $0x1, v1, vm0, $0x4038;
	[tilespmem:$0x6400] =	vst v63  }
0x45: {  	(ifvalue) =	ssetifvalue $0x7FFFFFFF;
	v1 =	vor.u32 $0x380, v0  }
0x46: {  	s17 =	sor.u32 s17, s17;
	s26 =	sadd.s32 $0x300, s19;
	(ifvalue) =	ssetifvalue $0x7FFFFFFF  }
0x47: {  	[tilespmem:s26], [sflag:$0x1] =	stream.indirect_vreg.gather [hbm4b:s2+s12], $0x1, v2, vm0, $0x4038;
	[tilespmem:$0x6400] =	vst v63  }
0x48: {  	s17 =	sor.u32 $0x380, s17;
	(ifvalue) =	ssetifvalue $0x7FFFFFFF;
	v2 =	vadd.s32 $0x7A1400, v0  }
0x49: {  	s17 =	sadd.s32 s17, s16;
	(ifvalue) =	ssetifvalue $0x7FFFFFFF  }
0x4a: {  	[tilespmem:s17], [sflag:$0x1] =	stream.indirect_vreg.gather [hbm4b:s2+s12], $0x1, v1, vm0, $0x4038;
	[tilespmem:$0x6400] =	vst v63  }
0x4b: {  	(ifvalue) =	ssetifvalue $0x7FFFFFFF;
	v1 =	vadd.s32 $0x7A1480, v0  }
0x4c: {  	s28 =	sadd.s32 $0x1000, s19;
	(ifvalue) =	ssetifvalue $0x7FFFFFFF  }
0x4d: {  	[tilespmem:s28], [sflag:$0x1] =	stream.indirect_vreg.gather [hbm4b:s2+s12], $0x1, v2, vm0, $0x4038;
	[tilespmem:$0x6400] =	vst v63  }
0x4e: {  	(ifvalue) =	ssetifvalue $0x7FFFFFFF;
	v2 =	vadd.s32 $0x7A1500, v0  }
0x4f: {  	s29 =	sadd.s32 $0x1080, s19;
	(ifvalue) =	ssetifvalue $0x7FFFFFFF  }
0x50: {  	[tilespmem:s29], [sflag:$0x1] =	stream.indirect_vreg.gather [hbm4b:s2+s12], $0x1, v1, vm0, $0x4038;
	[tilespmem:$0x6400] =	vst v63  }
0x51: {  	(ifvalue) =	ssetifvalue $0x7FFFFFFF;
	v1 =	vadd.s32 $0x7A1580, v0  }
0x52: {  	s30 =	sadd.s32 $0x1100, s19;
	(ifvalue) =	ssetifvalue $0x7FFFFFFF  }
0x53: {  	[tilespmem:s30], [sflag:$0x1] =	stream.indirect_vreg.gather [hbm4b:s2+s12], $0x1, v2, vm0, $0x4038;
	[tilespmem:$0x6400] =	vst v63  }
0x54: {  	(ifvalue) =	ssetifvalue $0x7FFFFFFF;
	v2 =	vadd.s32 $0x7A1600, v0  }
0x55: {  	s31 =	sadd.s32 $0x1180, s19;
	(ifvalue) =	ssetifvalue $0x7FFFFFFF  }
0x56: {  	[tilespmem:s31], [sflag:$0x1] =	stream.indirect_vreg.gather [hbm4b:s2+s12], $0x1, v1, vm0, $0x4038;
	[tilespmem:$0x6400] =	vst v63  }
0x57: {  	(ifvalue) =	ssetifvalue $0x7FFFFFFF;
	v1 =	vadd.s32 $0x7A1680, v0  }
0x58: {  	s20 =	sadd.s32 $0x1200, s19;
	(ifvalue) =	ssetifvalue $0x7FFFFFFF  }
0x59: {  	[tilespmem:s20], [sflag:$0x1] =	stream.indirect_vreg.gather [hbm4b:s2+s12], $0x1, v2, vm0, $0x4038;
	[tilespmem:$0x6400] =	vst v63  }
0x5a: {  	(ifvalue) =	ssetifvalue $0x7FFFFFFF;
	v2 =	vadd.s32 $0x7A1700, v0  }
0x5b: {  	s21 =	sadd.s32 $0x1280, s19;
	(ifvalue) =	ssetifvalue $0x7FFFFFFF  }
0x5c: {  	[tilespmem:s21], [sflag:$0x1] =	stream.indirect_vreg.gather [hbm4b:s2+s12], $0x1, v1, vm0, $0x4038;
	[tilespmem:$0x6400] =	vst v63  }
0x5d: {  	(ifvalue) =	ssetifvalue $0x7FFFFFFF;
	v1 =	vadd.s32 $0x7A1780, v0  }
0x5e: {  	s22 =	sadd.s32 $0x1300, s19;
	(ifvalue) =	ssetifvalue $0x7FFFFFFF  }
0x5f: {  	[tilespmem:s22], [sflag:$0x1] =	stream.indirect_vreg.gather [hbm4b:s2+s12], $0x1, v2, vm0, $0x4038;
	[tilespmem:$0x6400] =	vst v63  }
0x60: {  	(ifvalue) =	ssetifvalue $0x7FFFFFFF;
	v2 =	vadd.s32 $0xF42800, v0  }
0x61: {  	s23 =	sadd.s32 $0x1380, s19;
	(ifvalue) =	ssetifvalue $0x7FFFFFFF  }
0x62: {  	[tilespmem:s23], [sflag:$0x1] =	stream.indirect_vreg.gather [hbm4b:s2+s12], $0x1, v1, vm0, $0x4038;
	[tilespmem:$0x6400] =	vst v63  }
0x63: {  	(ifvalue) =	ssetifvalue $0x7FFFFFFF;
	v1 =	vadd.s32 $0xF42880, v0  }
0x64: {  	s24 =	sadd.s32 $0x2000, s19;
	(ifvalue) =	ssetifvalue $0x7FFFFFFF  }
0x65: {  	[tilespmem:s24], [sflag:$0x1] =	stream.indirect_vreg.gather [hbm4b:s2+s12], $0x1, v2, vm0, $0x4038;
	[tilespmem:$0x6400] =	vst v63  }
0x66: {  	(ifvalue) =	ssetifvalue $0x7FFFFFFF;
	v2 =	vadd.s32 $0xF42900, v0  }
0x67: {  	s25 =	sadd.s32 $0x2080, s19;
	(ifvalue) =	ssetifvalue $0x7FFFFFFF  }
0x68: {  	[tilespmem:s25], [sflag:$0x1] =	stream.indirect_vreg.gather [hbm4b:s2+s12], $0x1, v1, vm0, $0x4038;
	[tilespmem:$0x6400] =	vst v63  }
0x69: {  	(ifvalue) =	ssetifvalue $0x7FFFFFFF;
	v1 =	vadd.s32 $0xF42980, v0  }
0x6a: {  	s26 =	sadd.s32 $0x2100, s19;
	(ifvalue) =	ssetifvalue $0x7FFFFFFF  }
0x6b: {  	[tilespmem:s26], [sflag:$0x1] =	stream.indirect_vreg.gather [hbm4b:s2+s12], $0x1, v2, vm0, $0x4038;
	[tilespmem:$0x6400] =	vst v63  }
0x6c: {  	(ifvalue) =	ssetifvalue $0x7FFFFFFF;
	v2 =	vadd.s32 $0xF42A00, v0  }
0x6d: {  	s28 =	sadd.s32 $0x2180, s19;
	(ifvalue) =	ssetifvalue $0x7FFFFFFF  }
0x6e: {  	[tilespmem:s28], [sflag:$0x1] =	stream.indirect_vreg.gather [hbm4b:s2+s12], $0x1, v1, vm0, $0x4038;
	[tilespmem:$0x6400] =	vst v63  }
0x6f: {  	(ifvalue) =	ssetifvalue $0x7FFFFFFF;
	v1 =	vadd.s32 $0xF42A80, v0  }
0x70: {  	s29 =	sadd.s32 $0x2200, s19;
	(ifvalue) =	ssetifvalue $0x7FFFFFFF  }
0x71: {  	[tilespmem:s29], [sflag:$0x1] =	stream.indirect_vreg.gather [hbm4b:s2+s12], $0x1, v2, vm0, $0x4038;
	[tilespmem:$0x6400] =	vst v63  }
0x72: {  	(ifvalue) =	ssetifvalue $0x7FFFFFFF;
	v2 =	vadd.s32 $0xF42B00, v0  }
0x73: {  	s30 =	sadd.s32 $0x2280, s19;
	(ifvalue) =	ssetifvalue $0x7FFFFFFF  }
0x74: {  	[tilespmem:s30], [sflag:$0x1] =	stream.indirect_vreg.gather [hbm4b:s2+s12], $0x1, v1, vm0, $0x4038;
	[tilespmem:$0x6400] =	vst v63  }
0x75: {  	v0 =	vadd.s32 $0xF42B80, v0;
	(ifvalue) =	ssetifvalue $0x7FFFFFFF  }
0x76: {  	s31 =	sadd.s32 $0x2300, s19;
	(ifvalue) =	ssetifvalue $0x7FFFFFFF  }
0x77: {  	[tilespmem:s31], [sflag:$0x1] =	stream.indirect_vreg.gather [hbm4b:s2+s12], $0x1, v2, vm0, $0x4038;
	[tilespmem:$0x6400] =	vst v63  }
0x78: {  	s18 =	sadd.s32 $0x10, s18;
	s17 =	simm.s32 $0x10;
	(ifvalue) =	ssetifvalue $0x7FFFFFFF  }
0x79: {  	s20 =	sadd.s32 $0x2380, s19;
	s19 =	simm.s32 $0x80;
	(ifvalue) =	ssetifvalue $0x7FFFFFFF  }
.LBB2_3:
0x7a: {  	[tilespmem:s20], [sflag:$0x1] =	stream.indirect_vreg.gather [hbm4b:s2+s12], $0x1, v0, vm0, $0x4038;
	[tilespmem:$0x6400] =	vst v63  }
0x7b: {  	p1 =	sne.s32 s17, $0x1F0;
	s21 =	smov.u32 s17;
	s17 =	sadd.s32 $0x10, s17;
	v0 =	vld.msk [tilespmem:s18+$0x0 ss:$0x1], $0xffff  }
0x7c: {  	(ifvalue) =	ssetifvalue $0x7FFFFFFF;
	_ =	sdelay $0x4  }
0x7d: {  	vm1 =	vgt.s32 v0, $0x0  }
0x7e: {  	v0 =	vnsel vm1, $0x0, v0  }
0x7f: {  	v0 =	vmin.u32 v0, $0xF423F  }
0x80: {  	v1 =	vshll.u32 v0, $0x3  }
0x81: {  	v0 =	vand.u32 $0x7F, v0;
	v1 =	vand.u32 $0x7FFC00, v1  }
0x82: {  	v0 =	vor.u32 v0, v1;
	_ =	sdelay $0x1  }
0x83: {  	s20 =	sand.u32 $0xC00, s19  }
0x84: {  	s22 =	sand.u32 $0x70, s21;
	s20 =	sadd.s32 s20, s16;
	v1 =	vor.u32 $0x80, v0  }
0x85: {  	s20 =	sadd.s32 s22, s20;
	(ifvalue) =	ssetifvalue $0x7FFFFFFF  }
0x86: {  	[tilespmem:s20], [sflag:$0x1] =	stream.indirect_vreg.gather [hbm4b:s2+s12], $0x1, v0, vm0, $0x4038;
	[tilespmem:$0x6400] =	vst v63  }
0x87: {  	v2 =	vor.u32 $0x100, v0;
	(ifvalue) =	ssetifvalue $0x7FFFFFFF  }
0x88: {  	s22 =	sadd.s32 $0x80, s20;
	(ifvalue) =	ssetifvalue $0x7FFFFFFF  }
0x89: {  	[tilespmem:s22], [sflag:$0x1] =	stream.indirect_vreg.gather [hbm4b:s2+s12], $0x1, v1, vm0, $0x4038;
	[tilespmem:$0x6400] =	vst v63  }
0x8a: {  	v1 =	vor.u32 $0x180, v0;
	(ifvalue) =	ssetifvalue $0x7FFFFFFF  }
0x8b: {  	s22 =	sadd.s32 $0x100, s20;
	(ifvalue) =	ssetifvalue $0x7FFFFFFF  }
0x8c: {  	[tilespmem:s22], [sflag:$0x1] =	stream.indirect_vreg.gather [hbm4b:s2+s12], $0x1, v2, vm0, $0x4038;
	[tilespmem:$0x6400] =	vst v63  }
0x8d: {  	v2 =	vor.u32 $0x200, v0;
	(ifvalue) =	ssetifvalue $0x7FFFFFFF  }
0x8e: {  	s22 =	sadd.s32 $0x180, s20;
	(ifvalue) =	ssetifvalue $0x7FFFFFFF  }
0x8f: {  	[tilespmem:s22], [sflag:$0x1] =	stream.indirect_vreg.gather [hbm4b:s2+s12], $0x1, v1, vm0, $0x4038;
	[tilespmem:$0x6400] =	vst v63  }
0x90: {  	v1 =	vor.u32 $0x280, v0;
	(ifvalue) =	ssetifvalue $0x7FFFFFFF  }
0x91: {  	s22 =	sadd.s32 $0x200, s20;
	(ifvalue) =	ssetifvalue $0x7FFFFFFF  }
0x92: {  	[tilespmem:s22], [sflag:$0x1] =	stream.indirect_vreg.gather [hbm4b:s2+s12], $0x1, v2, vm0, $0x4038;
	[tilespmem:$0x6400] =	vst v63  }
0x93: {  	v2 =	vor.u32 $0x300, v0;
	(ifvalue) =	ssetifvalue $0x7FFFFFFF  }
0x94: {  	s22 =	sadd.s32 $0x280, s20;
	(ifvalue) =	ssetifvalue $0x7FFFFFFF  }
0x95: {  	[tilespmem:s22], [sflag:$0x1] =	stream.indirect_vreg.gather [hbm4b:s2+s12], $0x1, v1, vm0, $0x4038;
	[tilespmem:$0x6400] =	vst v63  }
0x96: {  	v1 =	vor.u32 $0x380, v0;
	(ifvalue) =	ssetifvalue $0x7FFFFFFF  }
0x97: {  	s21 =	sor.u32 s19, s21;
	s22 =	sadd.s32 $0x300, s20;
	(ifvalue) =	ssetifvalue $0x7FFFFFFF  }
0x98: {  	[tilespmem:s22], [sflag:$0x1] =	stream.indirect_vreg.gather [hbm4b:s2+s12], $0x1, v2, vm0, $0x4038;
	[tilespmem:$0x6400] =	vst v63  }
0x99: {  	s21 =	sor.u32 $0x380, s21;
	v2 =	vadd.s32 $0x7A1400, v0;
	(ifvalue) =	ssetifvalue $0x7FFFFFFF  }
0x9a: {  	s21 =	sadd.s32 s21, s16;
	(ifvalue) =	ssetifvalue $0x7FFFFFFF  }
0x9b: {  	[tilespmem:s21], [sflag:$0x1] =	stream.indirect_vreg.gather [hbm4b:s2+s12], $0x1, v1, vm0, $0x4038;
	[tilespmem:$0x6400] =	vst v63  }
0x9c: {  	v1 =	vadd.s32 $0x7A1480, v0;
	(ifvalue) =	ssetifvalue $0x7FFFFFFF  }
0x9d: {  	s21 =	sadd.s32 $0x1000, s20;
	(ifvalue) =	ssetifvalue $0x7FFFFFFF  }
0x9e: {  	[tilespmem:s21], [sflag:$0x1] =	stream.indirect_vreg.gather [hbm4b:s2+s12], $0x1, v2, vm0, $0x4038;
	[tilespmem:$0x6400] =	vst v63  }
0x9f: {  	v2 =	vadd.s32 $0x7A1500, v0;
	(ifvalue) =	ssetifvalue $0x7FFFFFFF  }
0xa0: {  	s21 =	sadd.s32 $0x1080, s20;
	(ifvalue) =	ssetifvalue $0x7FFFFFFF  }
0xa1: {  	[tilespmem:s21], [sflag:$0x1] =	stream.indirect_vreg.gather [hbm4b:s2+s12], $0x1, v1, vm0, $0x4038;
	[tilespmem:$0x6400] =	vst v63  }
0xa2: {  	v1 =	vadd.s32 $0x7A1580, v0;
	(ifvalue) =	ssetifvalue $0x7FFFFFFF  }
0xa3: {  	s21 =	sadd.s32 $0x1100, s20;
	(ifvalue) =	ssetifvalue $0x7FFFFFFF  }
0xa4: {  	[tilespmem:s21], [sflag:$0x1] =	stream.indirect_vreg.gather [hbm4b:s2+s12], $0x1, v2, vm0, $0x4038;
	[tilespmem:$0x6400] =	vst v63  }
0xa5: {  	v2 =	vadd.s32 $0x7A1600, v0;
	(ifvalue) =	ssetifvalue $0x7FFFFFFF  }
0xa6: {  	s21 =	sadd.s32 $0x1180, s20;
	(ifvalue) =	ssetifvalue $0x7FFFFFFF  }
0xa7: {  	[tilespmem:s21], [sflag:$0x1] =	stream.indirect_vreg.gather [hbm4b:s2+s12], $0x1, v1, vm0, $0x4038;
	[tilespmem:$0x6400] =	vst v63  }
0xa8: {  	v1 =	vadd.s32 $0x7A1680, v0;
	(ifvalue) =	ssetifvalue $0x7FFFFFFF  }
0xa9: {  	s21 =	sadd.s32 $0x1200, s20;
	(ifvalue) =	ssetifvalue $0x7FFFFFFF  }
0xaa: {  	[tilespmem:s21], [sflag:$0x1] =	stream.indirect_vreg.gather [hbm4b:s2+s12], $0x1, v2, vm0, $0x4038;
	[tilespmem:$0x6400] =	vst v63  }
0xab: {  	v2 =	vadd.s32 $0x7A1700, v0;
	(ifvalue) =	ssetifvalue $0x7FFFFFFF  }
0xac: {  	s21 =	sadd.s32 $0x1280, s20;
	(ifvalue) =	ssetifvalue $0x7FFFFFFF  }
0xad: {  	[tilespmem:s21], [sflag:$0x1] =	stream.indirect_vreg.gather [hbm4b:s2+s12], $0x1, v1, vm0, $0x4038;
	[tilespmem:$0x6400] =	vst v63  }
0xae: {  	v1 =	vadd.s32 $0x7A1780, v0;
	(ifvalue) =	ssetifvalue $0x7FFFFFFF  }
0xaf: {  	s21 =	sadd.s32 $0x1300, s20;
	(ifvalue) =	ssetifvalue $0x7FFFFFFF  }
0xb0: {  	[tilespmem:s21], [sflag:$0x1] =	stream.indirect_vreg.gather [hbm4b:s2+s12], $0x1, v2, vm0, $0x4038;
	[tilespmem:$0x6400] =	vst v63  }
0xb1: {  	v2 =	vadd.s32 $0xF42800, v0;
	(ifvalue) =	ssetifvalue $0x7FFFFFFF  }
0xb2: {  	s21 =	sadd.s32 $0x1380, s20;
	(ifvalue) =	ssetifvalue $0x7FFFFFFF  }
0xb3: {  	[tilespmem:s21], [sflag:$0x1] =	stream.indirect_vreg.gather [hbm4b:s2+s12], $0x1, v1, vm0, $0x4038;
	[tilespmem:$0x6400] =	vst v63  }
0xb4: {  	v1 =	vadd.s32 $0xF42880, v0;
	(ifvalue) =	ssetifvalue $0x7FFFFFFF  }
0xb5: {  	s21 =	sadd.s32 $0x2000, s20;
	(ifvalue) =	ssetifvalue $0x7FFFFFFF  }
0xb6: {  	[tilespmem:s21], [sflag:$0x1] =	stream.indirect_vreg.gather [hbm4b:s2+s12], $0x1, v2, vm0, $0x4038;
	[tilespmem:$0x6400] =	vst v63  }
0xb7: {  	v2 =	vadd.s32 $0xF42900, v0;
	(ifvalue) =	ssetifvalue $0x7FFFFFFF  }
0xb8: {  	s21 =	sadd.s32 $0x2080, s20;
	(ifvalue) =	ssetifvalue $0x7FFFFFFF  }
0xb9: {  	[tilespmem:s21], [sflag:$0x1] =	stream.indirect_vreg.gather [hbm4b:s2+s12], $0x1, v1, vm0, $0x4038;
	[tilespmem:$0x6400] =	vst v63  }
0xba: {  	v1 =	vadd.s32 $0xF42980, v0;
	(ifvalue) =	ssetifvalue $0x7FFFFFFF  }
0xbb: {  	s21 =	sadd.s32 $0x2100, s20;
	(ifvalue) =	ssetifvalue $0x7FFFFFFF  }
0xbc: {  	[tilespmem:s21], [sflag:$0x1] =	stream.indirect_vreg.gather [hbm4b:s2+s12], $0x1, v2, vm0, $0x4038;
	[tilespmem:$0x6400] =	vst v63  }
0xbd: {  	v2 =	vadd.s32 $0xF42A00, v0;
	(ifvalue) =	ssetifvalue $0x7FFFFFFF  }
0xbe: {  	s21 =	sadd.s32 $0x2180, s20;
	(ifvalue) =	ssetifvalue $0x7FFFFFFF  }
0xbf: {  	[tilespmem:s21], [sflag:$0x1] =	stream.indirect_vreg.gather [hbm4b:s2+s12], $0x1, v1, vm0, $0x4038;
	[tilespmem:$0x6400] =	vst v63  }
0xc0: {  	v1 =	vadd.s32 $0xF42A80, v0;
	(ifvalue) =	ssetifvalue $0x7FFFFFFF  }
0xc1: {  	s21 =	sadd.s32 $0x2200, s20;
	(ifvalue) =	ssetifvalue $0x7FFFFFFF  }
0xc2: {  	[tilespmem:s21], [sflag:$0x1] =	stream.indirect_vreg.gather [hbm4b:s2+s12], $0x1, v2, vm0, $0x4038;
	[tilespmem:$0x6400] =	vst v63  }
0xc3: {  	v2 =	vadd.s32 $0xF42B00, v0;
	(ifvalue) =	ssetifvalue $0x7FFFFFFF  }
0xc4: {  	s21 =	sadd.s32 $0x2280, s20;
	(ifvalue) =	ssetifvalue $0x7FFFFFFF  }
0xc5: {  	[tilespmem:s21], [sflag:$0x1] =	stream.indirect_vreg.gather [hbm4b:s2+s12], $0x1, v1, vm0, $0x4038;
	[tilespmem:$0x6400] =	vst v63  }
.Ltmp3:
0xc6: {  	v0 =	vadd.s32 $0xF42B80, v0;
	(ifvalue) =	ssetifvalue $0x7FFFFFFF;
	(pc) =	sbr.rel @p1 .LBB2_3-.Ltmp3, $4  }
0xc7: {  	s21 =	sadd.s32 $0x2300, s20;
	(ifvalue) =	ssetifvalue $0x7FFFFFFF  }
0xc8: {  	[tilespmem:s21], [sflag:$0x1] =	stream.indirect_vreg.gather [hbm4b:s2+s12], $0x1, v2, vm0, $0x4038;
	[tilespmem:$0x6400] =	vst v63  }
0xc9: {  	s18 =	sadd.s32 $0x10, s18;
	(ifvalue) =	ssetifvalue $0x7FFFFFFF  }
0xca: {  	s19 =	sadd.s32 $0x80, s19;
	s20 =	sadd.s32 $0x2380, s20;
	(ifvalue) =	ssetifvalue $0x7FFFFFFF  }
.Ltmp4:
0xcb: {  	_ = 	snop;
	(pc) =	sbr.rel .LBB2_4-.Ltmp4, $1  }
0xcc: {  	_ =	sdelay $0x3  }
.LBB2_6:
0xcd: {  	_ =	sfence.sel $0x180000  }
0xce: {  	s2 =	simm.s32 $0x2;
	[bflag:$0x0] =	sbarrier.arrive $0xFFFF  }
0xcf: {  	s30 =	simm.s32 $0x3;
	[sflag:s2] =	ssyncpa.u1 $0x1  }
0xd0: {  	s31 =	simm.s32 $0x1;
	[sflag:s30] =	ssyncpa.u1 $0x1  }
0xd1: {  	[sflag:s31] =	ssyncpa.u1 $0x1  }
0xd2: {  	p0 =	sne.s32 s0, $0x0;
	_ =	strace $0x9000004D  }
0xd3: {  	s0 =	sadd.s32 @!p0 $0x100000, s1;
	[bflag:$0x2] =	sbarrier.arrive $0xFFFF  }
0xd4: {  	[sflag:s0] =	ssyncadd.tile.s32 @!p0 $0x1;
	_ =	shalt  }
.Lfunc_end2:
_tile_overlayer_lowered:
.L_overlay_start_2:
0xd5: {  	(tag) =	ssettag $0x2  }
0xd6: {  	s0 =	rddreg [dreg:$0x0];
	s2 =	stileid.u32  }
0xd7: {  	s1 =	rddreg [dreg:$0x1];
	p0 =	sne.s32 s2, $0x0  }
0xd8: {  	s3 =	rddreg [dreg:$0x2];
	[bflag:$0x3] =	sbarrier.arrive $0xFFFF;
	s2 =	simm.s32 @!p0 $0x1C01  }
0xd9: {  	[timem:s3], [sflag:s2] =	dma.local @!p0 [hbm:s0], s1  }
0xda: {  	s0 =	simm.s32 @!p0 $0x1  }
0xdb: {  	_ =	swait.ge @!p0 [sflag:s0], s1  }
0xdc: {  	s1 =	ssub.s32 @!p0 $0x0, s1;
	[sflag:s0] =	ssyncset.done @!p0 $0x0  }
0xdd: {  	[sflag:s0] =	ssyncadd.s32 @!p0 s1  }
0xde: {  	[bflag:$0x3] =	sbarrier.arrive $0xFFFF  }
0xdf: {  	_ =	shalt  }

</sc_bundles>
